<compile_context>
chip_gen: v7x
topology: tpu7x:2x2x1
jax: 0.10.2.dev20260603
libtpu: 0.0.44.dev20260713+nightly
codegen_flags: <defaults>
</compile_context>

<pallas_src>
import functools

import jax
import jax.numpy as jnp
from jax import lax
from jax.experimental import pallas as pl
from jax.experimental.pallas import tpu as pltpu
from jax.experimental.pallas import tpu_sc as plsc

N0, N1, N2 = 10000, 5000, 2000
E0, E1 = 320000, 160000
D, H, C = 128, 128, 64
EPS = 1e-5

NC, NS, L = 2, 16, 16
NW = NC * NS
CHUNK = 128
TBL = 2048
TRASH = TBL - 1


def _pad_edges(row, col, e_pad):
    e = row.shape[0]
    pad = e_pad - e
    row = jnp.concatenate([row.astype(jnp.int32), jnp.zeros((pad,), jnp.int32)])
    col = jnp.concatenate([col.astype(jnp.int32), jnp.full((pad,), TRASH, jnp.int32)])
    return row, col


@functools.partial(jax.jit, static_argnums=(4, 5, 6))
def _sc_segment_sum(table, row2d, col2d, zeros_tbl, n_chunks, clamp, src_rows):
    mesh = plsc.VectorSubcoreMesh(core_axis_name="c", subcore_axis_name="s")
    assert n_chunks % 2 == 0 and src_rows % NS == 0

    @functools.partial(
        pl.kernel,
        out_type=[
            jax.ShapeDtypeStruct((NC * TBL, D), jnp.float32),
            jax.ShapeDtypeStruct((NW, TBL), jnp.float32),
        ],
        mesh=mesh,
        scratch_types=[
            pltpu.VMEM((n_chunks * CHUNK + CHUNK,), jnp.int32),
            pltpu.VMEM((n_chunks * CHUNK + CHUNK,), jnp.int32),
            pltpu.VMEM((CHUNK,), jnp.int32),
            pltpu.VMEM((CHUNK,), jnp.int32),
            pltpu.VMEM((CHUNK, D), jnp.float32),
            pltpu.VMEM((CHUNK, D), jnp.float32),
            pltpu.VMEM((TBL,), jnp.float32),
            pltpu.VMEM_SHARED((TBL, D), jnp.float32),
            pltpu.VMEM_SHARED((src_rows, D), jnp.float32),
            pltpu.SemaphoreType.DMA,
            pltpu.SemaphoreType.DMA,
            pltpu.SemaphoreType.DMA,
            pltpu.SemaphoreType.DMA,
            pltpu.SemaphoreType.DMA,
            pltpu.SemaphoreType.DMA,
        ],
        compiler_params=pltpu.CompilerParams(needs_layout_passes=False),
    )
    def sc_kernel(table_hbm, row_hbm, col_hbm, zeros_hbm,
                  agg_hbm, cnt_hbm, row_f, col_f, cols_a, cols_b,
                  rows_a, rows_b, cnt_v, agg_sh, table_sh, sem_a, sem_b,
                  sem_z, sem_t, sem_r, sem_c):
        cid = lax.axis_index("c")
        sid = lax.axis_index("s")
        wid = sid * NC + cid
        rows_per_tile = TBL // NS
        src_per_tile = src_rows // NS
        epw = n_chunks * CHUNK

        zero_src = zeros_hbm.at[pl.ds(sid * rows_per_tile, rows_per_tile)]
        zero_dst = agg_sh.at[pl.ds(sid * rows_per_tile, rows_per_tile)]
        tbl_src = table_hbm.at[pl.ds(sid * src_per_tile, src_per_tile)]
        tbl_dst = table_sh.at[pl.ds(sid * src_per_tile, src_per_tile)]
        row_src = row_hbm.at[pl.ds(wid * epw, epw)]
        row_dst = row_f.at[pl.ds(0, epw)]
        col_src = col_hbm.at[pl.ds(wid * epw, epw)]
        col_dst = col_f.at[pl.ds(0, epw)]
        pltpu.async_copy(row_src, row_dst, sem_r)
        pltpu.async_copy(col_src, col_dst, sem_c)
        pltpu.async_copy(zero_src, zero_dst, sem_z)
        pltpu.async_copy(tbl_src, tbl_dst, sem_t)
        zvec = jnp.zeros((L,), jnp.float32)

        def zero_cnt(i, _):
            cnt_v[pl.ds(i * L, L)] = zvec
            return 0

        lax.fori_loop(0, TBL // L, zero_cnt, 0)
        pltpu.make_async_copy(row_src, row_dst, sem_r).wait()
        pltpu.make_async_copy(col_src, col_dst, sem_c).wait()

        ones = jnp.ones((L,), jnp.float32)

        if clamp:
            def compact(k, w):
                cvec = col_f[pl.ds(k * L, L)]
                rvec = row_f[pl.ds(k * L, L)]
                m = cvec < N2
                plsc.addupdate_scatter(cnt_v, [cvec], ones, mask=m)
                plsc.store_compressed(row_f.at[pl.ds(w, L)], rvec, mask=m)
                plsc.store_compressed(col_f.at[pl.ds(w, L)], cvec, mask=m)
                return w + jnp.sum(m.astype(jnp.int32))

            w = lax.fori_loop(0, epw // L, compact, 0)
            trash_r = jnp.zeros((L,), jnp.int32)
            trash_c = jnp.full((L,), TRASH, jnp.int32)
            for i in range(CHUNK // L):
                row_f[pl.ds(w + i * L, L)] = trash_r
                col_f[pl.ds(w + i * L, L)] = trash_c
            nc = (w + CHUNK - 1) // CHUNK
        else:
            def count(k, _):
                cvec = col_f[pl.ds(k * L, L)]
                plsc.addupdate_scatter(cnt_v, [cvec], ones)
                return 0

            lax.fori_loop(0, epw // L, count, 0)
            nc = jnp.int32(n_chunks)

        pltpu.make_async_copy(zero_src, zero_dst, sem_z).wait()
        pltpu.make_async_copy(tbl_src, tbl_dst, sem_t).wait()
        plsc.subcore_barrier()

        def start(j, rbuf, cbuf, sem):
            pltpu.async_copy(table_sh.at[row_f.at[pl.ds(j * CHUNK, CHUNK)]],
                             rbuf, sem)
            for i in range(CHUNK // L):
                cbuf[pl.ds(i * L, L)] = col_f[pl.ds(j * CHUNK + i * L, L)]

        def drain(j, rbuf, cbuf, sem):
            pltpu.make_async_copy(
                table_sh.at[row_f.at[pl.ds(j * CHUNK, CHUNK)]], rbuf, sem
            ).wait()
            pltpu.sync_copy(rbuf, agg_sh.at[cbuf], add=True)

        @pl.when(nc > 0)
        def _():
            start(0, rows_a, cols_a, sem_a)

        def pair(g, _):
            j = 2 * g

            @pl.when(j + 1 < nc)
            def _():
                start(j + 1, rows_b, cols_b, sem_b)

            drain(j, rows_a, cols_a, sem_a)

            @pl.when(j + 2 < nc)
            def _():
                start(j + 2, rows_a, cols_a, sem_a)

            @pl.when(j + 1 < nc)
            def _():
                drain(j + 1, rows_b, cols_b, sem_b)

            return 0

        lax.fori_loop(0, (nc + 1) // 2, pair, 0)
        plsc.subcore_barrier()

        pltpu.sync_copy(agg_sh.at[pl.ds(sid * rows_per_tile, rows_per_tile)],
                        agg_hbm.at[pl.ds(cid * TBL + sid * rows_per_tile,
                                         rows_per_tile)])
        pltpu.sync_copy(cnt_v, cnt_hbm.at[wid])

    return sc_kernel(table, row2d, col2d, zeros_tbl)


def _dense_layer0(agg_p, cnt_p, x2, wl_t, wr_t, g, b, rm, rv):
    def body(agg_ref, cnt_ref, x2_ref, wl_ref, wr_ref, g_ref, b_ref,
             rm_ref, rv_ref, out_ref):
        agg = agg_ref[0:N2, :] + agg_ref[TBL:TBL + N2, :]
        cnt = jnp.sum(cnt_ref[...], axis=0)[:N2]
        mean = agg / jnp.clip(cnt, 1.0, None)[:, None]
        h = (jnp.dot(mean, wl_ref[...], preferred_element_type=jnp.float32)
             + jnp.dot(x2_ref[...], wr_ref[...], preferred_element_type=jnp.float32))
        h = (h - rm_ref[...]) / jnp.sqrt(rv_ref[...] + EPS) * g_ref[...] + b_ref[...]
        out_ref[0:N2, :] = jnp.maximum(h, 0.0)
        out_ref[N2:TBL, :] = jnp.zeros((TBL - N2, H), jnp.float32)

    return pl.pallas_call(
        body,
        out_shape=jax.ShapeDtypeStruct((TBL, H), jnp.float32),
    )(agg_p, cnt_p, x2, wl_t, wr_t, g, b, rm, rv)


def _dense_layer1(agg_p, cnt_p, h0, wl_t, wr_t, g, b, rm, rv, wa, wb, blin):
    def body(agg_ref, cnt_ref, h0_ref, wl_ref, wr_ref, g_ref, b_ref,
             rm_ref, rv_ref, wa_ref, wb_ref, blin_ref, out_ref):
        agg = agg_ref[0:N2, :] + agg_ref[TBL:TBL + N2, :]
        cnt = jnp.sum(cnt_ref[...], axis=0)[:N2]
        mean = agg / jnp.clip(cnt, 1.0, None)[:, None]
        h0 = h0_ref[0:N2, :]
        h2 = (jnp.dot(mean, wl_ref[...], preferred_element_type=jnp.float32)
              + jnp.dot(h0, wr_ref[...], preferred_element_type=jnp.float32))
        h2 = (h2 - rm_ref[...]) / jnp.sqrt(rv_ref[...] + EPS) * g_ref[...] + b_ref[...]
        h2 = jnp.maximum(h2, 0.0)
        z = (jnp.dot(h0, wa_ref[...], preferred_element_type=jnp.float32)
             + jnp.dot(h2, wb_ref[...], preferred_element_type=jnp.float32)
             + blin_ref[...])
        z = z - jnp.max(z, axis=1, keepdims=True)
        out_ref[...] = z - jnp.log(jnp.sum(jnp.exp(z), axis=1, keepdims=True))

    return pl.pallas_call(
        body,
        out_shape=jax.ShapeDtypeStruct((N2, C), jnp.float32),
    )(agg_p, cnt_p, h0, wl_t, wr_t, g, b, rm, rv, wa, wb, blin)


def kernel(x, edge_index0, edge_index1, Wl0, Wr0, g0, b0, rm0, rv0,
           Wl1, Wr1, g1, b1, rm1, rv1, Wlin, blin):
    x = x.astype(jnp.float32)
    zeros_tbl = jnp.zeros((TBL, D), jnp.float32)

    def n_chunks_for(e):
        n = -(-e // (NW * CHUNK))
        return n + (n % 2)

    n_chunks0 = n_chunks_for(E0)
    n_chunks1 = n_chunks_for(E1)
    row0, col0 = _pad_edges(edge_index0[0], edge_index0[1], NW * n_chunks0 * CHUNK)
    row1, col1 = _pad_edges(edge_index1[0], edge_index1[1], NW * n_chunks1 * CHUNK)

    tbl0 = jnp.pad(x[:N1], ((0, 120), (0, 0)))
    agg0, cnt0 = _sc_segment_sum(tbl0, row0, col0, zeros_tbl, n_chunks0, True,
                                 N1 + 120)
    h0p = _dense_layer0(agg0, cnt0, x[:N2], Wl0.T, Wr0.T,
                        g0[None, :], b0[None, :], rm0[None, :], rv0[None, :])
    agg1, cnt1 = _sc_segment_sum(h0p, row1, col1, zeros_tbl, n_chunks1, False,
                                 TBL)
    out = _dense_layer1(agg1, cnt1, h0p, Wl1.T, Wr1.T,
                        g1[None, :], b1[None, :], rm1[None, :], rv1[None, :],
                        Wlin[:, :H].T, Wlin[:, H:].T, blin[None, :])
    return out

# --- scband reference (transcript-rebuilt; emitter-appended) ---
"""Pipeline reference for scband-jknet-5282809775006 (READ-ONLY COPY).

The authoritative reference and input builder live on the scoring server;
editing this copy changes nothing except your own understanding.
"""

import jax, jax.numpy as jnp
import numpy as np

N0, N1, N2 = 10000, 5000, 2000
E0, E1 = 320000, 160000
D, H, C = 128, 128, 64
EPS = 1e-5


def setup_inputs(seed: int = 0) -> dict:
    key = jax.random.key(seed)
    ks = jax.random.split(key, 10)
    x = jax.random.normal(ks[0], (N0, D), dtype=jnp.float32)
    edge_index0 = jax.random.randint(ks[1], (2, E0), 0, N1).astype(jnp.int64)
    edge_index1 = jax.random.randint(ks[2], (2, E1), 0, N2).astype(jnp.int64)
    Wl0 = jax.random.normal(ks[3], (H, D), dtype=jnp.float32) * 0.05
    Wr0 = jax.random.normal(ks[4], (H, D), dtype=jnp.float32) * 0.05
    Wl1 = jax.random.normal(ks[5], (H, H), dtype=jnp.float32) * 0.05
    Wr1 = jax.random.normal(ks[6], (H, H), dtype=jnp.float32) * 0.05
    g0 = jnp.ones((H,), jnp.float32); b0 = jnp.zeros((H,), jnp.float32)
    rm0 = jnp.zeros((H,), jnp.float32); rv0 = jnp.ones((H,), jnp.float32)
    g1 = jnp.ones((H,), jnp.float32); b1 = jnp.zeros((H,), jnp.float32)
    rm1 = jnp.zeros((H,), jnp.float32); rv1 = jnp.ones((H,), jnp.float32)
    Wlin = jax.random.normal(ks[7], (C, 2 * H), dtype=jnp.float32) * 0.05
    blin = jnp.zeros((C,), jnp.float32)
    return {"x": x, "edge_index0": edge_index0, "edge_index1": edge_index1,
            "Wl0": Wl0, "Wr0": Wr0, "g0": g0, "b0": b0, "rm0": rm0, "rv0": rv0,
            "Wl1": Wl1, "Wr1": Wr1, "g1": g1, "b1": b1, "rm1": rm1, "rv1": rv1,
            "Wlin": Wlin, "blin": blin}


def _sage(x_src, x_dst, edge_index, Wl, Wr):
    # PyG SAGEConv (mean aggr, bias=False): lin_l(mean_j x_src[row]) + lin_r(x_dst)
    row, col = edge_index[0], edge_index[1]
    n_dst = x_dst.shape[0]
    msg = jnp.take(x_src, row, axis=0)
    agg = jax.ops.segment_sum(msg, col, num_segments=n_dst)
    cnt = jax.ops.segment_sum(jnp.ones((row.shape[0],), jnp.float32), col, num_segments=n_dst)
    agg = agg / jnp.clip(cnt, 1.0, None)[:, None]
    return agg @ Wl.T + x_dst @ Wr.T


def _bn_eval(h, g, b, rm, rv):
    return (h - rm) / jnp.sqrt(rv + EPS) * g + b


def reference(x, edge_index0, edge_index1, Wl0, Wr0, g0, b0, rm0, rv0,
              Wl1, Wr1, g1, b1, rm1, rv1, Wlin, blin):
    x = x.astype(jnp.float32)
    xs = []
    # layer 0: size=(N0, N1)
    x_t = x[:N1]
    h = _sage(x, x_t, edge_index0, Wl0, Wr0)
    h = jax.nn.relu(_bn_eval(h, g0, b0, rm0, rv0))
    # dropout is identity in eval mode
    xs.append(h[:N2])
    # layer 1: size=(N1, N2)
    h_t = h[:N2]
    h2 = _sage(h, h_t, edge_index1, Wl1, Wr1)
    h2 = jax.nn.relu(_bn_eval(h2, g1, b1, rm1, rv1))
    xs.append(h2[:N2])
    z = jnp.concatenate(xs, axis=-1)  # JumpingKnowledge mode='cat'
    z = z @ Wlin.T + blin
    return jax.nn.log_softmax(z, axis=-1)

if __name__ == "__main__":
    import jax
    _d = setup_inputs()
    print(jax.jit(kernel)(*tuple(_d.values())))

</pallas_src>

<mosaic_0001>
#map = affine_map<(d0, d1) -> (0, 0)>
#map1 = affine_map<(d0, d1) -> (0)>
module attributes {stable_mosaic.version = 14 : i64} {
  func.func @sc_kernel(%arg0: i32, %arg1: i32, %arg2: memref<5120x128xf32, #tpu.memory_space<hbm>>, %arg3: memref<327680xi32, #tpu.memory_space<hbm>>, %arg4: memref<327680xi32, #tpu.memory_space<hbm>>, %arg5: memref<2048x128xf32, #tpu.memory_space<hbm>>, %arg6: memref<4096x128xf32, #tpu.memory_space<hbm>>, %arg7: memref<32x2048xf32, #tpu.memory_space<hbm>>, %arg8: memref<10368xi32, #tpu.memory_space<vmem>>, %arg9: memref<10368xi32, #tpu.memory_space<vmem>>, %arg10: memref<128xi32, #tpu.memory_space<vmem>>, %arg11: memref<128xi32, #tpu.memory_space<vmem>>, %arg12: memref<128x128xf32, #tpu.memory_space<vmem>>, %arg13: memref<128x128xf32, #tpu.memory_space<vmem>>, %arg14: memref<2048xf32, #tpu.memory_space<vmem>>, %arg15: memref<2048x128xf32, #tpu.memory_space<vmem_shared>>, %arg16: memref<5120x128xf32, #tpu.memory_space<vmem_shared>>, %arg17: memref<!tpu.dma_semaphore, #tpu.memory_space<semaphore_mem>>, %arg18: memref<!tpu.dma_semaphore, #tpu.memory_space<semaphore_mem>>, %arg19: memref<!tpu.dma_semaphore, #tpu.memory_space<semaphore_mem>>, %arg20: memref<!tpu.dma_semaphore, #tpu.memory_space<semaphore_mem>>, %arg21: memref<!tpu.dma_semaphore, #tpu.memory_space<semaphore_mem>>, %arg22: memref<!tpu.dma_semaphore, #tpu.memory_space<semaphore_mem>>) attributes {dimension_semantics = [#tpu.dimension_semantics<core_parallel>, #tpu.dimension_semantics<subcore_parallel>], iteration_bounds = array<i64: 2, 16>, scalar_prefetch = 0 : i64, scratch_operands = 15 : i64, tpu.core_type = #tpu.core_type<sc_vector_subcore>, window_params = [{transform_indices = #map}, {transform_indices = #map1}, {transform_indices = #map1}, {transform_indices = #map}, {transform_indices = #map}, {transform_indices = #map}]} {
    %mul3A = arith.constant 2 : i32
    %mul3A_0 = arith.muli %arg1, %mul3A : i32
    %add3A = arith.addi %mul3A_0, %arg0 : i32
    %mul3A_1 = arith.constant 128 : i32
    %mul3A_2 = arith.muli %arg1, %mul3A_1 : i32
    %mul3A_3 = arith.constant 128 : i32
    %mul3A_4 = arith.muli %arg1, %mul3A_3 : i32
    %mul3A_5 = arith.constant 320 : i32
    %mul3A_6 = arith.muli %arg1, %mul3A_5 : i32
    %mul3A_7 = arith.constant 320 : i32
    %mul3A_8 = arith.muli %arg1, %mul3A_7 : i32
    %mul3A_9 = arith.constant 10240 : i32
    %mul3A_10 = arith.muli %add3A, %mul3A_9 : i32
    %mul3A_11 = arith.constant 10240 : i32
    %mul3A_12 = arith.muli %add3A, %mul3A_11 : i32
    %dma_start3A = arith.constant 0 : i32
    %dma_start3A_13 = tpu.memref_slice %arg8[%dma_start3A] : memref<10368xi32, #tpu.memory_space<vmem>> -> memref<10240xi32, #tpu.memory_space<vmem>>
    %dma_start3A_14 = tpu.memref_slice %arg3[%mul3A_10] : memref<327680xi32, #tpu.memory_space<hbm>> -> memref<10240xi32, #tpu.memory_space<hbm>>
    %dma_start3A_15 = arith.constant 0 : i32
    %dma_start3A_16 = tpu.memref_slice %arg8[%dma_start3A_15] : memref<10368xi32, #tpu.memory_space<vmem>> -> memref<10240xi32, #tpu.memory_space<vmem>>
    %dma_start3A_17 = tpu.memref_slice %arg3[%mul3A_10] : memref<327680xi32, #tpu.memory_space<hbm>> -> memref<10240xi32, #tpu.memory_space<hbm>>
    tpu.enqueue_dma source(%dma_start3A_17 : memref<10240xi32, #tpu.memory_space<hbm>>) target(%dma_start3A_16 : memref<10240xi32, #tpu.memory_space<vmem>>) target_semaphore(%arg21 : memref<!tpu.dma_semaphore, #tpu.memory_space<semaphore_mem>>)
    %dma_start3A_18 = arith.constant 0 : i32
    %dma_start3A_19 = tpu.memref_slice %arg9[%dma_start3A_18] : memref<10368xi32, #tpu.memory_space<vmem>> -> memref<10240xi32, #tpu.memory_space<vmem>>
    %dma_start3A_20 = tpu.memref_slice %arg4[%mul3A_12] : memref<327680xi32, #tpu.memory_space<hbm>> -> memref<10240xi32, #tpu.memory_space<hbm>>
    %dma_start3A_21 = arith.constant 0 : i32
    %dma_start3A_22 = tpu.memref_slice %arg9[%dma_start3A_21] : memref<10368xi32, #tpu.memory_space<vmem>> -> memref<10240xi32, #tpu.memory_space<vmem>>
    %dma_start3A_23 = tpu.memref_slice %arg4[%mul3A_12] : memref<327680xi32, #tpu.memory_space<hbm>> -> memref<10240xi32, #tpu.memory_space<hbm>>
    tpu.enqueue_dma source(%dma_start3A_23 : memref<10240xi32, #tpu.memory_space<hbm>>) target(%dma_start3A_22 : memref<10240xi32, #tpu.memory_space<vmem>>) target_semaphore(%arg22 : memref<!tpu.dma_semaphore, #tpu.memory_space<semaphore_mem>>)
    %dma_start3A_24 = arith.constant 0 : i32
    %dma_start3A_25 = tpu.memref_slice %arg15[%mul3A_4, %dma_start3A_24] : memref<2048x128xf32, #tpu.memory_space<vmem_shared>> -> memref<128x128xf32, #tpu.memory_space<vmem_shared>>
    %dma_start3A_26 = arith.constant 0 : i32
    %dma_start3A_27 = tpu.memref_slice %arg5[%mul3A_2, %dma_start3A_26] : memref<2048x128xf32, #tpu.memory_space<hbm>> -> memref<128x128xf32, #tpu.memory_space<hbm>>
    tpu.enqueue_dma source(%dma_start3A_27 : memref<128x128xf32, #tpu.memory_space<hbm>>) target(%dma_start3A_25 : memref<128x128xf32, #tpu.memory_space<vmem_shared>>) target_semaphore(%arg19 : memref<!tpu.dma_semaphore, #tpu.memory_space<semaphore_mem>>)
    %dma_start3A_28 = arith.constant 0 : i32
    %dma_start3A_29 = tpu.memref_slice %arg16[%mul3A_8, %dma_start3A_28] : memref<5120x128xf32, #tpu.memory_space<vmem_shared>> -> memref<320x128xf32, #tpu.memory_space<vmem_shared>>
    %dma_start3A_30 = arith.constant 0 : i32
    %dma_start3A_31 = tpu.memref_slice %arg2[%mul3A_6, %dma_start3A_30] : memref<5120x128xf32, #tpu.memory_space<hbm>> -> memref<320x128xf32, #tpu.memory_space<hbm>>
    tpu.enqueue_dma source(%dma_start3A_31 : memref<320x128xf32, #tpu.memory_space<hbm>>) target(%dma_start3A_29 : memref<320x128xf32, #tpu.memory_space<vmem_shared>>) target_semaphore(%arg20 : memref<!tpu.dma_semaphore, #tpu.memory_space<semaphore_mem>>)
    %broadcast_in_dim3A = arith.constant 0.000000e+00 : f32
    %broadcast_in_dim3A_32 = vector.broadcast %broadcast_in_dim3A : f32 to vector<16xf32>
    %scan3A = arith.constant 0 : i32
    %scan3A_33 = arith.constant 0 : i32
    %scan3A_34 = arith.constant 128 : i32
    %scan3A_35 = arith.addi %scan3A_33, %scan3A_34 : i32
    %scan3A_36 = arith.constant 1 : i32
    %scan3A_37 = scf.for %scan3A_201 = %scan3A_33 to %scan3A_35 step %scan3A_36 iter_args(%scan3A_202 = %scan3A) -> (i32)  : i32 {
      %mul3A_203 = arith.constant 16 : i32
      %mul3A_204 = arith.muli %scan3A_201, %mul3A_203 : i32
      %swap3A_205 = arith.index_cast %mul3A_204 : i32 to index
      %swap3A_206 = tpu.vector_load %arg14[%swap3A_205] {strides = array<i32>} : memref<2048xf32, #tpu.memory_space<vmem>>, vector<16xf32>,
      tpu.vector_store %arg14[%swap3A_205], %broadcast_in_dim3A_32 {strides = array<i32>} : memref<2048xf32, #tpu.memory_space<vmem>>, vector<16xf32>,
      %scan3A_207 = arith.constant 0 : i32
      scf.yield %scan3A_207 : i32
    }
    %scan3A_38 = arith.constant 128 : i32
    %dma_wait3A = arith.constant 0 : i32
    %dma_wait3A_39 = tpu.memref_slice %arg8[%dma_wait3A] : memref<10368xi32, #tpu.memory_space<vmem>> -> memref<10240xi32, #tpu.memory_space<vmem>>
    %dma_wait3A_40 = tpu.memref_slice %arg3[%mul3A_10] : memref<327680xi32, #tpu.memory_space<hbm>> -> memref<10240xi32, #tpu.memory_space<hbm>>
    %dma_wait3A_41 = arith.constant 0 : i32
    %dma_wait3A_42 = tpu.memref_slice %arg8[%dma_wait3A_41] : memref<10368xi32, #tpu.memory_space<vmem>> -> memref<10240xi32, #tpu.memory_space<vmem>>
    %dma_wait3A_43 = tpu.memref_slice %arg3[%mul3A_10] : memref<327680xi32, #tpu.memory_space<hbm>> -> memref<10240xi32, #tpu.memory_space<hbm>>
    tpu.wait_dma2 semaphore(%arg21 : memref<!tpu.dma_semaphore, #tpu.memory_space<semaphore_mem>>) src(%dma_wait3A_43 : memref<10240xi32, #tpu.memory_space<hbm>>) dst(%dma_wait3A_42 : memref<10240xi32, #tpu.memory_space<vmem>>)
    %dma_wait3A_44 = arith.constant 0 : i32
    %dma_wait3A_45 = tpu.memref_slice %arg9[%dma_wait3A_44] : memref<10368xi32, #tpu.memory_space<vmem>> -> memref<10240xi32, #tpu.memory_space<vmem>>
    %dma_wait3A_46 = tpu.memref_slice %arg4[%mul3A_12] : memref<327680xi32, #tpu.memory_space<hbm>> -> memref<10240xi32, #tpu.memory_space<hbm>>
    %dma_wait3A_47 = arith.constant 0 : i32
    %dma_wait3A_48 = tpu.memref_slice %arg9[%dma_wait3A_47] : memref<10368xi32, #tpu.memory_space<vmem>> -> memref<10240xi32, #tpu.memory_space<vmem>>
    %dma_wait3A_49 = tpu.memref_slice %arg4[%mul3A_12] : memref<327680xi32, #tpu.memory_space<hbm>> -> memref<10240xi32, #tpu.memory_space<hbm>>
    tpu.wait_dma2 semaphore(%arg22 : memref<!tpu.dma_semaphore, #tpu.memory_space<semaphore_mem>>) src(%dma_wait3A_49 : memref<10240xi32, #tpu.memory_space<hbm>>) dst(%dma_wait3A_48 : memref<10240xi32, #tpu.memory_space<vmem>>)
    %broadcast_in_dim3A_50 = arith.constant 1.000000e+00 : f32
    %broadcast_in_dim3A_51 = vector.broadcast %broadcast_in_dim3A_50 : f32 to vector<16xf32>
    %scan3A_52 = arith.constant 0 : i32
    %scan3A_53 = arith.constant 0 : i32
    %scan3A_54 = arith.constant 640 : i32
    %scan3A_55 = arith.addi %scan3A_53, %scan3A_54 : i32
    %scan3A_56 = arith.constant 1 : i32
    %scan3A_57 = scf.for %scan3A_201 = %scan3A_53 to %scan3A_55 step %scan3A_56 iter_args(%scan3A_202 = %scan3A_52) -> (i32)  : i32 {
      %mul3A_203 = arith.constant 16 : i32
      %mul3A_204 = arith.muli %scan3A_201, %mul3A_203 : i32
      %get3A = arith.index_cast %mul3A_204 : i32 to index
      %get3A_205 = tpu.vector_load %arg9[%get3A] {strides = array<i32>} : memref<10368xi32, #tpu.memory_space<vmem>>, vector<16xi32>,
      %mul3A_206 = arith.constant 16 : i32
      %mul3A_207 = arith.muli %scan3A_201, %mul3A_206 : i32
      %get3A_208 = arith.index_cast %mul3A_207 : i32 to index
      %get3A_209 = tpu.vector_load %arg8[%get3A_208] {strides = array<i32>} : memref<10368xi32, #tpu.memory_space<vmem>>, vector<16xi32>,
      %lt3A = arith.constant 2000 : i32
      %lt3A_210 = vector.broadcast %lt3A : i32 to vector<16xi32>
      %lt3A_211 = arith.cmpi slt, %get3A_205, %lt3A_210 : vector<16xi32>
      tpu.vector_store_idx %arg14[%get3A_205], %broadcast_in_dim3A_51 masked %lt3A_211 {add = true} : memref<2048xf32, #tpu.memory_space<vmem>>[vector<16xi32>], vector<16xf32>, vector<16xi1>
      %swap3A_212 = arith.index_cast %scan3A_202 : i32 to index
      %swap3A_213 = tpu.vector_load %arg8[%swap3A_212] masked %lt3A_211 {strides = array<i32>} : memref<10368xi32, #tpu.memory_space<vmem>>, vector<16xi32>, vector<16xi1>
      tpu.vector_store %arg8[%swap3A_212], %get3A_209 masked %lt3A_211 {strides = array<i32>} : memref<10368xi32, #tpu.memory_space<vmem>>, vector<16xi32>, vector<16xi1>
      %swap3A_214 = arith.index_cast %scan3A_202 : i32 to index
      %swap3A_215 = tpu.vector_load %arg9[%swap3A_214] masked %lt3A_211 {strides = array<i32>} : memref<10368xi32, #tpu.memory_space<vmem>>, vector<16xi32>, vector<16xi1>
      tpu.vector_store %arg9[%swap3A_214], %get3A_205 masked %lt3A_211 {strides = array<i32>} : memref<10368xi32, #tpu.memory_space<vmem>>, vector<16xi32>, vector<16xi1>
      %convert_element_type3A_216 = arith.extui %lt3A_211 : vector<16xi1> to vector<16xi32>
      %reduce_sum3A = arith.constant true
      %reduce_sum3A_217 = vector.broadcast %reduce_sum3A : i1 to vector<16xi1>
      %reduce_sum3A_218 = tpu.scan <sum>, %convert_element_type3A_216 masked %reduce_sum3A_217 : vector<16xi32>, vector<16xi1> -> vector<16xi32>
      %reduce_sum3A_219 = vector.extract %reduce_sum3A_218[15] : i32 from vector<16xi32>
      %add3A_220 = arith.addi %scan3A_202, %reduce_sum3A_219 : i32
      scf.yield %add3A_220 : i32
    }
    %scan3A_58 = arith.constant 640 : i32
    %broadcast_in_dim3A_59 = arith.constant 0 : i32
    %broadcast_in_dim3A_60 = vector.broadcast %broadcast_in_dim3A_59 : i32 to vector<16xi32>
    %broadcast_in_dim3A_61 = arith.constant 2047 : i32
    %broadcast_in_dim3A_62 = vector.broadcast %broadcast_in_dim3A_61 : i32 to vector<16xi32>
    %add3A_63 = arith.constant 0 : i32
    %add3A_64 = arith.addi %scan3A_57, %add3A_63 : i32
    %swap3A = arith.index_cast %add3A_64 : i32 to index
    %swap3A_65 = tpu.vector_load %arg8[%swap3A] {strides = array<i32>} : memref<10368xi32, #tpu.memory_space<vmem>>, vector<16xi32>,
    tpu.vector_store %arg8[%swap3A], %broadcast_in_dim3A_60 {strides = array<i32>} : memref<10368xi32, #tpu.memory_space<vmem>>, vector<16xi32>,
    %add3A_66 = arith.constant 0 : i32
    %add3A_67 = arith.addi %scan3A_57, %add3A_66 : i32
    %swap3A_68 = arith.index_cast %add3A_67 : i32 to index
    %swap3A_69 = tpu.vector_load %arg9[%swap3A_68] {strides = array<i32>} : memref<10368xi32, #tpu.memory_space<vmem>>, vector<16xi32>,
    tpu.vector_store %arg9[%swap3A_68], %broadcast_in_dim3A_62 {strides = array<i32>} : memref<10368xi32, #tpu.memory_space<vmem>>, vector<16xi32>,
    %add3A_70 = arith.constant 16 : i32
    %add3A_71 = arith.addi %scan3A_57, %add3A_70 : i32
    %swap3A_72 = arith.index_cast %add3A_71 : i32 to index
    %swap3A_73 = tpu.vector_load %arg8[%swap3A_72] {strides = array<i32>} : memref<10368xi32, #tpu.memory_space<vmem>>, vector<16xi32>,
    tpu.vector_store %arg8[%swap3A_72], %broadcast_in_dim3A_60 {strides = array<i32>} : memref<10368xi32, #tpu.memory_space<vmem>>, vector<16xi32>,
    %add3A_74 = arith.constant 16 : i32
    %add3A_75 = arith.addi %scan3A_57, %add3A_74 : i32
    %swap3A_76 = arith.index_cast %add3A_75 : i32 to index
    %swap3A_77 = tpu.vector_load %arg9[%swap3A_76] {strides = array<i32>} : memref<10368xi32, #tpu.memory_space<vmem>>, vector<16xi32>,
    tpu.vector_store %arg9[%swap3A_76], %broadcast_in_dim3A_62 {strides = array<i32>} : memref<10368xi32, #tpu.memory_space<vmem>>, vector<16xi32>,
    %add3A_78 = arith.constant 32 : i32
    %add3A_79 = arith.addi %scan3A_57, %add3A_78 : i32
    %swap3A_80 = arith.index_cast %add3A_79 : i32 to index
    %swap3A_81 = tpu.vector_load %arg8[%swap3A_80] {strides = array<i32>} : memref<10368xi32, #tpu.memory_space<vmem>>, vector<16xi32>,
    tpu.vector_store %arg8[%swap3A_80], %broadcast_in_dim3A_60 {strides = array<i32>} : memref<10368xi32, #tpu.memory_space<vmem>>, vector<16xi32>,
    %add3A_82 = arith.constant 32 : i32
    %add3A_83 = arith.addi %scan3A_57, %add3A_82 : i32
    %swap3A_84 = arith.index_cast %add3A_83 : i32 to index
    %swap3A_85 = tpu.vector_load %arg9[%swap3A_84] {strides = array<i32>} : memref<10368xi32, #tpu.memory_space<vmem>>, vector<16xi32>,
    tpu.vector_store %arg9[%swap3A_84], %broadcast_in_dim3A_62 {strides = array<i32>} : memref<10368xi32, #tpu.memory_space<vmem>>, vector<16xi32>,
    %add3A_86 = arith.constant 48 : i32
    %add3A_87 = arith.addi %scan3A_57, %add3A_86 : i32
    %swap3A_88 = arith.index_cast %add3A_87 : i32 to index
    %swap3A_89 = tpu.vector_load %arg8[%swap3A_88] {strides = array<i32>} : memref<10368xi32, #tpu.memory_space<vmem>>, vector<16xi32>,
    tpu.vector_store %arg8[%swap3A_88], %broadcast_in_dim3A_60 {strides = array<i32>} : memref<10368xi32, #tpu.memory_space<vmem>>, vector<16xi32>,
    %add3A_90 = arith.constant 48 : i32
    %add3A_91 = arith.addi %scan3A_57, %add3A_90 : i32
    %swap3A_92 = arith.index_cast %add3A_91 : i32 to index
    %swap3A_93 = tpu.vector_load %arg9[%swap3A_92] {strides = array<i32>} : memref<10368xi32, #tpu.memory_space<vmem>>, vector<16xi32>,
    tpu.vector_store %arg9[%swap3A_92], %broadcast_in_dim3A_62 {strides = array<i32>} : memref<10368xi32, #tpu.memory_space<vmem>>, vector<16xi32>,
    %add3A_94 = arith.constant 64 : i32
    %add3A_95 = arith.addi %scan3A_57, %add3A_94 : i32
    %swap3A_96 = arith.index_cast %add3A_95 : i32 to index
    %swap3A_97 = tpu.vector_load %arg8[%swap3A_96] {strides = array<i32>} : memref<10368xi32, #tpu.memory_space<vmem>>, vector<16xi32>,
    tpu.vector_store %arg8[%swap3A_96], %broadcast_in_dim3A_60 {strides = array<i32>} : memref<10368xi32, #tpu.memory_space<vmem>>, vector<16xi32>,
    %add3A_98 = arith.constant 64 : i32
    %add3A_99 = arith.addi %scan3A_57, %add3A_98 : i32
    %swap3A_100 = arith.index_cast %add3A_99 : i32 to index
    %swap3A_101 = tpu.vector_load %arg9[%swap3A_100] {strides = array<i32>} : memref<10368xi32, #tpu.memory_space<vmem>>, vector<16xi32>,
    tpu.vector_store %arg9[%swap3A_100], %broadcast_in_dim3A_62 {strides = array<i32>} : memref<10368xi32, #tpu.memory_space<vmem>>, vector<16xi32>,
    %add3A_102 = arith.constant 80 : i32
    %add3A_103 = arith.addi %scan3A_57, %add3A_102 : i32
    %swap3A_104 = arith.index_cast %add3A_103 : i32 to index
    %swap3A_105 = tpu.vector_load %arg8[%swap3A_104] {strides = array<i32>} : memref<10368xi32, #tpu.memory_space<vmem>>, vector<16xi32>,
    tpu.vector_store %arg8[%swap3A_104], %broadcast_in_dim3A_60 {strides = array<i32>} : memref<10368xi32, #tpu.memory_space<vmem>>, vector<16xi32>,
    %add3A_106 = arith.constant 80 : i32
    %add3A_107 = arith.addi %scan3A_57, %add3A_106 : i32
    %swap3A_108 = arith.index_cast %add3A_107 : i32 to index
    %swap3A_109 = tpu.vector_load %arg9[%swap3A_108] {strides = array<i32>} : memref<10368xi32, #tpu.memory_space<vmem>>, vector<16xi32>,
    tpu.vector_store %arg9[%swap3A_108], %broadcast_in_dim3A_62 {strides = array<i32>} : memref<10368xi32, #tpu.memory_space<vmem>>, vector<16xi32>,
    %add3A_110 = arith.constant 96 : i32
    %add3A_111 = arith.addi %scan3A_57, %add3A_110 : i32
    %swap3A_112 = arith.index_cast %add3A_111 : i32 to index
    %swap3A_113 = tpu.vector_load %arg8[%swap3A_112] {strides = array<i32>} : memref<10368xi32, #tpu.memory_space<vmem>>, vector<16xi32>,
    tpu.vector_store %arg8[%swap3A_112], %broadcast_in_dim3A_60 {strides = array<i32>} : memref<10368xi32, #tpu.memory_space<vmem>>, vector<16xi32>,
    %add3A_114 = arith.constant 96 : i32
    %add3A_115 = arith.addi %scan3A_57, %add3A_114 : i32
    %swap3A_116 = arith.index_cast %add3A_115 : i32 to index
    %swap3A_117 = tpu.vector_load %arg9[%swap3A_116] {strides = array<i32>} : memref<10368xi32, #tpu.memory_space<vmem>>, vector<16xi32>,
    tpu.vector_store %arg9[%swap3A_116], %broadcast_in_dim3A_62 {strides = array<i32>} : memref<10368xi32, #tpu.memory_space<vmem>>, vector<16xi32>,
    %add3A_118 = arith.constant 112 : i32
    %add3A_119 = arith.addi %scan3A_57, %add3A_118 : i32
    %swap3A_120 = arith.index_cast %add3A_119 : i32 to index
    %swap3A_121 = tpu.vector_load %arg8[%swap3A_120] {strides = array<i32>} : memref<10368xi32, #tpu.memory_space<vmem>>, vector<16xi32>,
    tpu.vector_store %arg8[%swap3A_120], %broadcast_in_dim3A_60 {strides = array<i32>} : memref<10368xi32, #tpu.memory_space<vmem>>, vector<16xi32>,
    %add3A_122 = arith.constant 112 : i32
    %add3A_123 = arith.addi %scan3A_57, %add3A_122 : i32
    %swap3A_124 = arith.index_cast %add3A_123 : i32 to index
    %swap3A_125 = tpu.vector_load %arg9[%swap3A_124] {strides = array<i32>} : memref<10368xi32, #tpu.memory_space<vmem>>, vector<16xi32>,
    tpu.vector_store %arg9[%swap3A_124], %broadcast_in_dim3A_62 {strides = array<i32>} : memref<10368xi32, #tpu.memory_space<vmem>>, vector<16xi32>,
    %add3A_126 = arith.constant 128 : i32
    %add3A_127 = arith.addi %scan3A_57, %add3A_126 : i32
    %sub3A = arith.constant 1 : i32
    %sub3A_128 = arith.subi %add3A_127, %sub3A : i32
    %jit3A = arith.constant 128 : i32
    %div3A = arith.divsi %sub3A_128, %jit3A : i32
    %sign3A = arith.constant 0 : i32
    %sign3A_129 = arith.cmpi sgt, %sub3A_128, %sign3A : i32
    %sign3A_130 = arith.extui %sign3A_129 : i1 to i32
    %sign3A_131 = arith.constant 0 : i32
    %sign3A_132 = arith.cmpi slt, %sub3A_128, %sign3A_131 : i32
    %sign3A_133 = arith.extui %sign3A_132 : i1 to i32
    %sign3A_134 = arith.subi %sign3A_130, %sign3A_133 : i32
    %sign3A_135 = arith.constant 0 : i32
    %sign3A_136 = arith.cmpi sgt, %jit3A, %sign3A_135 : i32
    %sign3A_137 = arith.extui %sign3A_136 : i1 to i32
    %sign3A_138 = arith.constant 0 : i32
    %sign3A_139 = arith.cmpi slt, %jit3A, %sign3A_138 : i32
    %sign3A_140 = arith.extui %sign3A_139 : i1 to i32
    %sign3A_141 = arith.subi %sign3A_137, %sign3A_140 : i32
    %ne3A = arith.cmpi ne, %sign3A_134, %sign3A_141 : i32
    %rem3A = arith.remsi %sub3A_128, %jit3A : i32
    %ne3A_142 = arith.constant 0 : i32
    %ne3A_143 = arith.cmpi ne, %rem3A, %ne3A_142 : i32
    %and3A = arith.andi %ne3A, %ne3A_143 : i1
    %sub3A_144 = arith.constant 1 : i32
    %sub3A_145 = arith.subi %div3A, %sub3A_144 : i32
    %select_n3A = arith.select %and3A, %sub3A_145, %div3A : i32
    %dma_wait3A_146 = arith.constant 0 : i32
    %dma_wait3A_147 = tpu.memref_slice %arg15[%mul3A_4, %dma_wait3A_146] : memref<2048x128xf32, #tpu.memory_space<vmem_shared>> -> memref<128x128xf32, #tpu.memory_space<vmem_shared>>
    %dma_wait3A_148 = arith.constant 0 : i32
    %dma_wait3A_149 = tpu.memref_slice %arg5[%mul3A_2, %dma_wait3A_148] : memref<2048x128xf32, #tpu.memory_space<hbm>> -> memref<128x128xf32, #tpu.memory_space<hbm>>
    tpu.wait_dma2 semaphore(%arg19 : memref<!tpu.dma_semaphore, #tpu.memory_space<semaphore_mem>>) src(%dma_wait3A_149 : memref<128x128xf32, #tpu.memory_space<hbm>>) dst(%dma_wait3A_147 : memref<128x128xf32, #tpu.memory_space<vmem_shared>>)
    %dma_wait3A_150 = arith.constant 0 : i32
    %dma_wait3A_151 = tpu.memref_slice %arg16[%mul3A_8, %dma_wait3A_150] : memref<5120x128xf32, #tpu.memory_space<vmem_shared>> -> memref<320x128xf32, #tpu.memory_space<vmem_shared>>
    %dma_wait3A_152 = arith.constant 0 : i32
    %dma_wait3A_153 = tpu.memref_slice %arg2[%mul3A_6, %dma_wait3A_152] : memref<5120x128xf32, #tpu.memory_space<hbm>> -> memref<320x128xf32, #tpu.memory_space<hbm>>
    tpu.wait_dma2 semaphore(%arg20 : memref<!tpu.dma_semaphore, #tpu.memory_space<semaphore_mem>>) src(%dma_wait3A_153 : memref<320x128xf32, #tpu.memory_space<hbm>>) dst(%dma_wait3A_151 : memref<320x128xf32, #tpu.memory_space<vmem_shared>>)
    %barrier3A = arith.constant 0 : index
    tpu.barrier barrier_id(%barrier3A)
    %gt3A = arith.constant 0 : i32
    %gt3A_154 = arith.cmpi sgt, %select_n3A, %gt3A : i32
    %convert_element_type3A = arith.extui %gt3A_154 : i1 to i32
    %cond3A = arith.constant 0 : i32
    %cond3A_155 = arith.cmpi ne, %convert_element_type3A, %cond3A : i32
    scf.if %cond3A_155 {
      %dma_start3A_201 = arith.constant 0 : i32
      %dma_start3A_202 = tpu.memref_slice %arg8[%dma_start3A_201] : memref<10368xi32, #tpu.memory_space<vmem>> -> memref<128xi32, #tpu.memory_space<vmem>>
      %dma_start3A_203 = arith.constant 0 : i32
      %dma_start3A_204 = arith.constant 0 : i32
      %dma_start3A_205 = tpu.memref_slice %arg16[%dma_start3A_203, %dma_start3A_204] : memref<5120x128xf32, #tpu.memory_space<vmem_shared>> -> memref<5120x128xf32, #tpu.memory_space<vmem_shared>>
      tpu.enqueue_indirect_dma source(%dma_start3A_205 : memref<5120x128xf32, #tpu.memory_space<vmem_shared>>) target(%arg12 : memref<128x128xf32, #tpu.memory_space<vmem>>) offsets(%dma_start3A_202 : memref<128xi32, #tpu.memory_space<vmem>>) semaphore(%arg17 : memref<!tpu.dma_semaphore, #tpu.memory_space<semaphore_mem>>)
      %get3A = arith.constant 0 : index
      %get3A_206 = tpu.vector_load %arg9[%get3A] {strides = array<i32>} : memref<10368xi32, #tpu.memory_space<vmem>>, vector<16xi32>,
      %swap3A_207 = arith.constant 0 : index
      %swap3A_208 = tpu.vector_load %arg10[%swap3A_207] {strides = array<i32>} : memref<128xi32, #tpu.memory_space<vmem>>, vector<16xi32>,
      tpu.vector_store %arg10[%swap3A_207], %get3A_206 {strides = array<i32>} : memref<128xi32, #tpu.memory_space<vmem>>, vector<16xi32>,
      %get3A_209 = arith.constant 16 : index
      %get3A_210 = tpu.vector_load %arg9[%get3A_209] {strides = array<i32>} : memref<10368xi32, #tpu.memory_space<vmem>>, vector<16xi32>,
      %swap3A_211 = arith.constant 16 : index
      %swap3A_212 = tpu.vector_load %arg10[%swap3A_211] {strides = array<i32>} : memref<128xi32, #tpu.memory_space<vmem>>, vector<16xi32>,
      tpu.vector_store %arg10[%swap3A_211], %get3A_210 {strides = array<i32>} : memref<128xi32, #tpu.memory_space<vmem>>, vector<16xi32>,
      %get3A_213 = arith.constant 32 : index
      %get3A_214 = tpu.vector_load %arg9[%get3A_213] {strides = array<i32>} : memref<10368xi32, #tpu.memory_space<vmem>>, vector<16xi32>,
      %swap3A_215 = arith.constant 32 : index
      %swap3A_216 = tpu.vector_load %arg10[%swap3A_215] {strides = array<i32>} : memref<128xi32, #tpu.memory_space<vmem>>, vector<16xi32>,
      tpu.vector_store %arg10[%swap3A_215], %get3A_214 {strides = array<i32>} : memref<128xi32, #tpu.memory_space<vmem>>, vector<16xi32>,
      %get3A_217 = arith.constant 48 : index
      %get3A_218 = tpu.vector_load %arg9[%get3A_217] {strides = array<i32>} : memref<10368xi32, #tpu.memory_space<vmem>>, vector<16xi32>,
      %swap3A_219 = arith.constant 48 : index
      %swap3A_220 = tpu.vector_load %arg10[%swap3A_219] {strides = array<i32>} : memref<128xi32, #tpu.memory_space<vmem>>, vector<16xi32>,
      tpu.vector_store %arg10[%swap3A_219], %get3A_218 {strides = array<i32>} : memref<128xi32, #tpu.memory_space<vmem>>, vector<16xi32>,
      %get3A_221 = arith.constant 64 : index
      %get3A_222 = tpu.vector_load %arg9[%get3A_221] {strides = array<i32>} : memref<10368xi32, #tpu.memory_space<vmem>>, vector<16xi32>,
      %swap3A_223 = arith.constant 64 : index
      %swap3A_224 = tpu.vector_load %arg10[%swap3A_223] {strides = array<i32>} : memref<128xi32, #tpu.memory_space<vmem>>, vector<16xi32>,
      tpu.vector_store %arg10[%swap3A_223], %get3A_222 {strides = array<i32>} : memref<128xi32, #tpu.memory_space<vmem>>, vector<16xi32>,
      %get3A_225 = arith.constant 80 : index
      %get3A_226 = tpu.vector_load %arg9[%get3A_225] {strides = array<i32>} : memref<10368xi32, #tpu.memory_space<vmem>>, vector<16xi32>,
      %swap3A_227 = arith.constant 80 : index
      %swap3A_228 = tpu.vector_load %arg10[%swap3A_227] {strides = array<i32>} : memref<128xi32, #tpu.memory_space<vmem>>, vector<16xi32>,
      tpu.vector_store %arg10[%swap3A_227], %get3A_226 {strides = array<i32>} : memref<128xi32, #tpu.memory_space<vmem>>, vector<16xi32>,
      %get3A_229 = arith.constant 96 : index
      %get3A_230 = tpu.vector_load %arg9[%get3A_229] {strides = array<i32>} : memref<10368xi32, #tpu.memory_space<vmem>>, vector<16xi32>,
      %swap3A_231 = arith.constant 96 : index
      %swap3A_232 = tpu.vector_load %arg10[%swap3A_231] {strides = array<i32>} : memref<128xi32, #tpu.memory_space<vmem>>, vector<16xi32>,
      tpu.vector_store %arg10[%swap3A_231], %get3A_230 {strides = array<i32>} : memref<128xi32, #tpu.memory_space<vmem>>, vector<16xi32>,
      %get3A_233 = arith.constant 112 : index
      %get3A_234 = tpu.vector_load %arg9[%get3A_233] {strides = array<i32>} : memref<10368xi32, #tpu.memory_space<vmem>>, vector<16xi32>,
      %swap3A_235 = arith.constant 112 : index
      %swap3A_236 = tpu.vector_load %arg10[%swap3A_235] {strides = array<i32>} : memref<128xi32, #tpu.memory_space<vmem>>, vector<16xi32>,
      tpu.vector_store %arg10[%swap3A_235], %get3A_234 {strides = array<i32>} : memref<128xi32, #tpu.memory_space<vmem>>, vector<16xi32>,
    } else {
    }
    %add3A_156 = arith.constant 1 : i32
    %add3A_157 = arith.addi %select_n3A, %add3A_156 : i32
    %jit3A_158 = arith.constant 2 : i32
    %div3A_159 = arith.divsi %add3A_157, %jit3A_158 : i32
    %sign3A_160 = arith.constant 0 : i32
    %sign3A_161 = arith.cmpi sgt, %add3A_157, %sign3A_160 : i32
    %sign3A_162 = arith.extui %sign3A_161 : i1 to i32
    %sign3A_163 = arith.constant 0 : i32
    %sign3A_164 = arith.cmpi slt, %add3A_157, %sign3A_163 : i32
    %sign3A_165 = arith.extui %sign3A_164 : i1 to i32
    %sign3A_166 = arith.subi %sign3A_162, %sign3A_165 : i32
    %sign3A_167 = arith.constant 0 : i32
    %sign3A_168 = arith.cmpi sgt, %jit3A_158, %sign3A_167 : i32
    %sign3A_169 = arith.extui %sign3A_168 : i1 to i32
    %sign3A_170 = arith.constant 0 : i32
    %sign3A_171 = arith.cmpi slt, %jit3A_158, %sign3A_170 : i32
    %sign3A_172 = arith.extui %sign3A_171 : i1 to i32
    %sign3A_173 = arith.subi %sign3A_169, %sign3A_172 : i32
    %ne3A_174 = arith.cmpi ne, %sign3A_166, %sign3A_173 : i32
    %rem3A_175 = arith.remsi %add3A_157, %jit3A_158 : i32
    %ne3A_176 = arith.constant 0 : i32
    %ne3A_177 = arith.cmpi ne, %rem3A_175, %ne3A_176 : i32
    %and3A_178 = arith.andi %ne3A_174, %ne3A_177 : i1
    %sub3A_179 = arith.constant 1 : i32
    %sub3A_180 = arith.subi %div3A_159, %sub3A_179 : i32
    %select_n3A_181 = arith.select %and3A_178, %sub3A_180, %div3A_159 : i32
    %while3A = arith.constant 0 : i32
    %while3A_182 = arith.constant 0 : i32
    %while3A_183 = arith.subi %select_n3A_181, %while3A : i32
    %while3A_184 = arith.addi %while3A, %while3A_183 : i32
    %while3A_185 = arith.constant 1 : i32
    %while3A_186 = arith.divsi %while3A_183, %while3A_185 : i32
    %while3A_187 = arith.muli %while3A_186, %while3A_185 : i32
    %while3A_188 = arith.addi %while3A, %while3A_187 : i32
    %while3A_189 = arith.constant 1 : i32
    %while3A_190 = scf.for %while3A_201 = %while3A to %while3A_188 step %while3A_189 iter_args(%while3A_202 = %while3A_182) -> (i32)  : i32 {
      %mul3A_203 = arith.constant 2 : i32
      %mul3A_204 = arith.muli %mul3A_203, %while3A_201 : i32
      %add3A_205 = arith.constant 1 : i32
      %add3A_206 = arith.addi %mul3A_204, %add3A_205 : i32
      %lt3A = arith.cmpi slt, %add3A_206, %select_n3A : i32
      %convert_element_type3A_207 = arith.extui %lt3A : i1 to i32
      %cond3A_208 = arith.constant 0 : i32
      %cond3A_209 = arith.cmpi ne, %convert_element_type3A_207, %cond3A_208 : i32
      scf.if %cond3A_209 {
        %add3A_229 = arith.constant 1 : i32
        %add3A_230 = arith.addi %mul3A_204, %add3A_229 : i32
        %mul3A_231 = arith.constant 128 : i32
        %mul3A_232 = arith.muli %add3A_230, %mul3A_231 : i32
        %dma_start3A_233 = tpu.memref_slice %arg8[%mul3A_232] : memref<10368xi32, #tpu.memory_space<vmem>> -> memref<128xi32, #tpu.memory_space<vmem>>
        %dma_start3A_234 = arith.constant 0 : i32
        %dma_start3A_235 = arith.constant 0 : i32
        %dma_start3A_236 = tpu.memref_slice %arg16[%dma_start3A_234, %dma_start3A_235] : memref<5120x128xf32, #tpu.memory_space<vmem_shared>> -> memref<5120x128xf32, #tpu.memory_space<vmem_shared>>
        tpu.enqueue_indirect_dma source(%dma_start3A_236 : memref<5120x128xf32, #tpu.memory_space<vmem_shared>>) target(%arg13 : memref<128x128xf32, #tpu.memory_space<vmem>>) offsets(%dma_start3A_233 : memref<128xi32, #tpu.memory_space<vmem>>) semaphore(%arg18 : memref<!tpu.dma_semaphore, #tpu.memory_space<semaphore_mem>>)
        %mul3A_237 = arith.constant 128 : i32
        %mul3A_238 = arith.muli %add3A_230, %mul3A_237 : i32
        %add3A_239 = arith.constant 0 : i32
        %add3A_240 = arith.addi %mul3A_238, %add3A_239 : i32
        %get3A = arith.index_cast %add3A_240 : i32 to index
        %get3A_241 = tpu.vector_load %arg9[%get3A] {strides = array<i32>} : memref<10368xi32, #tpu.memory_space<vmem>>, vector<16xi32>,
        %swap3A_242 = arith.constant 0 : index
        %swap3A_243 = tpu.vector_load %arg11[%swap3A_242] {strides = array<i32>} : memref<128xi32, #tpu.memory_space<vmem>>, vector<16xi32>,
        tpu.vector_store %arg11[%swap3A_242], %get3A_241 {strides = array<i32>} : memref<128xi32, #tpu.memory_space<vmem>>, vector<16xi32>,
        %mul3A_244 = arith.constant 128 : i32
        %mul3A_245 = arith.muli %add3A_230, %mul3A_244 : i32
        %add3A_246 = arith.constant 16 : i32
        %add3A_247 = arith.addi %mul3A_245, %add3A_246 : i32
        %get3A_248 = arith.index_cast %add3A_247 : i32 to index
        %get3A_249 = tpu.vector_load %arg9[%get3A_248] {strides = array<i32>} : memref<10368xi32, #tpu.memory_space<vmem>>, vector<16xi32>,
        %swap3A_250 = arith.constant 16 : index
        %swap3A_251 = tpu.vector_load %arg11[%swap3A_250] {strides = array<i32>} : memref<128xi32, #tpu.memory_space<vmem>>, vector<16xi32>,
        tpu.vector_store %arg11[%swap3A_250], %get3A_249 {strides = array<i32>} : memref<128xi32, #tpu.memory_space<vmem>>, vector<16xi32>,
        %mul3A_252 = arith.constant 128 : i32
        %mul3A_253 = arith.muli %add3A_230, %mul3A_252 : i32
        %add3A_254 = arith.constant 32 : i32
        %add3A_255 = arith.addi %mul3A_253, %add3A_254 : i32
        %get3A_256 = arith.index_cast %add3A_255 : i32 to index
        %get3A_257 = tpu.vector_load %arg9[%get3A_256] {strides = array<i32>} : memref<10368xi32, #tpu.memory_space<vmem>>, vector<16xi32>,
        %swap3A_258 = arith.constant 32 : index
        %swap3A_259 = tpu.vector_load %arg11[%swap3A_258] {strides = array<i32>} : memref<128xi32, #tpu.memory_space<vmem>>, vector<16xi32>,
        tpu.vector_store %arg11[%swap3A_258], %get3A_257 {strides = array<i32>} : memref<128xi32, #tpu.memory_space<vmem>>, vector<16xi32>,
        %mul3A_260 = arith.constant 128 : i32
        %mul3A_261 = arith.muli %add3A_230, %mul3A_260 : i32
        %add3A_262 = arith.constant 48 : i32
        %add3A_263 = arith.addi %mul3A_261, %add3A_262 : i32
        %get3A_264 = arith.index_cast %add3A_263 : i32 to index
        %get3A_265 = tpu.vector_load %arg9[%get3A_264] {strides = array<i32>} : memref<10368xi32, #tpu.memory_space<vmem>>, vector<16xi32>,
        %swap3A_266 = arith.constant 48 : index
        %swap3A_267 = tpu.vector_load %arg11[%swap3A_266] {strides = array<i32>} : memref<128xi32, #tpu.memory_space<vmem>>, vector<16xi32>,
        tpu.vector_store %arg11[%swap3A_266], %get3A_265 {strides = array<i32>} : memref<128xi32, #tpu.memory_space<vmem>>, vector<16xi32>,
        %mul3A_268 = arith.constant 128 : i32
        %mul3A_269 = arith.muli %add3A_230, %mul3A_268 : i32
        %add3A_270 = arith.constant 64 : i32
        %add3A_271 = arith.addi %mul3A_269, %add3A_270 : i32
        %get3A_272 = arith.index_cast %add3A_271 : i32 to index
        %get3A_273 = tpu.vector_load %arg9[%get3A_272] {strides = array<i32>} : memref<10368xi32, #tpu.memory_space<vmem>>, vector<16xi32>,
        %swap3A_274 = arith.constant 64 : index
        %swap3A_275 = tpu.vector_load %arg11[%swap3A_274] {strides = array<i32>} : memref<128xi32, #tpu.memory_space<vmem>>, vector<16xi32>,
        tpu.vector_store %arg11[%swap3A_274], %get3A_273 {strides = array<i32>} : memref<128xi32, #tpu.memory_space<vmem>>, vector<16xi32>,
        %mul3A_276 = arith.constant 128 : i32
        %mul3A_277 = arith.muli %add3A_230, %mul3A_276 : i32
        %add3A_278 = arith.constant 80 : i32
        %add3A_279 = arith.addi %mul3A_277, %add3A_278 : i32
        %get3A_280 = arith.index_cast %add3A_279 : i32 to index
        %get3A_281 = tpu.vector_load %arg9[%get3A_280] {strides = array<i32>} : memref<10368xi32, #tpu.memory_space<vmem>>, vector<16xi32>,
        %swap3A_282 = arith.constant 80 : index
        %swap3A_283 = tpu.vector_load %arg11[%swap3A_282] {strides = array<i32>} : memref<128xi32, #tpu.memory_space<vmem>>, vector<16xi32>,
        tpu.vector_store %arg11[%swap3A_282], %get3A_281 {strides = array<i32>} : memref<128xi32, #tpu.memory_space<vmem>>, vector<16xi32>,
        %mul3A_284 = arith.constant 128 : i32
        %mul3A_285 = arith.muli %add3A_230, %mul3A_284 : i32
        %add3A_286 = arith.constant 96 : i32
        %add3A_287 = arith.addi %mul3A_285, %add3A_286 : i32
        %get3A_288 = arith.index_cast %add3A_287 : i32 to index
        %get3A_289 = tpu.vector_load %arg9[%get3A_288] {strides = array<i32>} : memref<10368xi32, #tpu.memory_space<vmem>>, vector<16xi32>,
        %swap3A_290 = arith.constant 96 : index
        %swap3A_291 = tpu.vector_load %arg11[%swap3A_290] {strides = array<i32>} : memref<128xi32, #tpu.memory_space<vmem>>, vector<16xi32>,
        tpu.vector_store %arg11[%swap3A_290], %get3A_289 {strides = array<i32>} : memref<128xi32, #tpu.memory_space<vmem>>, vector<16xi32>,
        %mul3A_292 = arith.constant 128 : i32
        %mul3A_293 = arith.muli %add3A_230, %mul3A_292 : i32
        %add3A_294 = arith.constant 112 : i32
        %add3A_295 = arith.addi %mul3A_293, %add3A_294 : i32
        %get3A_296 = arith.index_cast %add3A_295 : i32 to index
        %get3A_297 = tpu.vector_load %arg9[%get3A_296] {strides = array<i32>} : memref<10368xi32, #tpu.memory_space<vmem>>, vector<16xi32>,
        %swap3A_298 = arith.constant 112 : index
        %swap3A_299 = tpu.vector_load %arg11[%swap3A_298] {strides = array<i32>} : memref<128xi32, #tpu.memory_space<vmem>>, vector<16xi32>,
        tpu.vector_store %arg11[%swap3A_298], %get3A_297 {strides = array<i32>} : memref<128xi32, #tpu.memory_space<vmem>>, vector<16xi32>,
      } else {
      }
      %mul3A_210 = arith.constant 128 : i32
      %mul3A_211 = arith.muli %mul3A_204, %mul3A_210 : i32
      %dma_wait3A_212 = tpu.memref_slice %arg8[%mul3A_211] : memref<10368xi32, #tpu.memory_space<vmem>> -> memref<128xi32, #tpu.memory_space<vmem>>
      %dma_wait3A_213 = arith.constant 0 : i32
      %dma_wait3A_214 = arith.constant 0 : i32
      %dma_wait3A_215 = tpu.memref_slice %arg16[%dma_wait3A_213, %dma_wait3A_214] : memref<5120x128xf32, #tpu.memory_space<vmem_shared>> -> memref<5120x128xf32, #tpu.memory_space<vmem_shared>>
      tpu.wait_indirect_dma semaphore(%arg17 : memref<!tpu.dma_semaphore, #tpu.memory_space<semaphore_mem>>) src(%dma_wait3A_215 : memref<5120x128xf32, #tpu.memory_space<vmem_shared>>) dst(%arg12 : memref<128x128xf32, #tpu.memory_space<vmem>>)
      "tpu.region"() ({
        %run_scoped3A = tpu.sem_alloc : memref<!tpu.dma_semaphore, #tpu.memory_space<semaphore_mem>>
        %dma_start3A_229 = arith.constant 0 : i32
        %dma_start3A_230 = arith.constant 0 : i32
        %dma_start3A_231 = tpu.memref_slice %arg15[%dma_start3A_229, %dma_start3A_230] : memref<2048x128xf32, #tpu.memory_space<vmem_shared>> -> memref<2048x128xf32, #tpu.memory_space<vmem_shared>>
        tpu.enqueue_indirect_dma source(%arg12 : memref<128x128xf32, #tpu.memory_space<vmem>>) target(%dma_start3A_231 : memref<2048x128xf32, #tpu.memory_space<vmem_shared>>) offsets(%arg10 : memref<128xi32, #tpu.memory_space<vmem>>) semaphore(%run_scoped3A : memref<!tpu.dma_semaphore, #tpu.memory_space<semaphore_mem>>) {add = true}
        %dma_wait3A_232 = arith.constant 0 : i32
        %dma_wait3A_233 = arith.constant 0 : i32
        %dma_wait3A_234 = tpu.memref_slice %arg15[%dma_wait3A_232, %dma_wait3A_233] : memref<2048x128xf32, #tpu.memory_space<vmem_shared>> -> memref<2048x128xf32, #tpu.memory_space<vmem_shared>>
        tpu.wait_indirect_dma semaphore(%run_scoped3A : memref<!tpu.dma_semaphore, #tpu.memory_space<semaphore_mem>>) src(%arg12 : memref<128x128xf32, #tpu.memory_space<vmem>>) dst(%dma_wait3A_234 : memref<2048x128xf32, #tpu.memory_space<vmem_shared>>)
        tpu.yield
      }) : () -> ()
      %add3A_216 = arith.constant 2 : i32
      %add3A_217 = arith.addi %mul3A_204, %add3A_216 : i32
      %lt3A_218 = arith.cmpi slt, %add3A_217, %select_n3A : i32
      %convert_element_type3A_219 = arith.extui %lt3A_218 : i1 to i32
      %cond3A_220 = arith.constant 0 : i32
      %cond3A_221 = arith.cmpi ne, %convert_element_type3A_219, %cond3A_220 : i32
      scf.if %cond3A_221 {
        %add3A_229 = arith.constant 2 : i32
        %add3A_230 = arith.addi %mul3A_204, %add3A_229 : i32
        %mul3A_231 = arith.constant 128 : i32
        %mul3A_232 = arith.muli %add3A_230, %mul3A_231 : i32
        %dma_start3A_233 = tpu.memref_slice %arg8[%mul3A_232] : memref<10368xi32, #tpu.memory_space<vmem>> -> memref<128xi32, #tpu.memory_space<vmem>>
        %dma_start3A_234 = arith.constant 0 : i32
        %dma_start3A_235 = arith.constant 0 : i32
        %dma_start3A_236 = tpu.memref_slice %arg16[%dma_start3A_234, %dma_start3A_235] : memref<5120x128xf32, #tpu.memory_space<vmem_shared>> -> memref<5120x128xf32, #tpu.memory_space<vmem_shared>>
        tpu.enqueue_indirect_dma source(%dma_start3A_236 : memref<5120x128xf32, #tpu.memory_space<vmem_shared>>) target(%arg12 : memref<128x128xf32, #tpu.memory_space<vmem>>) offsets(%dma_start3A_233 : memref<128xi32, #tpu.memory_space<vmem>>) semaphore(%arg17 : memref<!tpu.dma_semaphore, #tpu.memory_space<semaphore_mem>>)
        %mul3A_237 = arith.constant 128 : i32
        %mul3A_238 = arith.muli %add3A_230, %mul3A_237 : i32
        %add3A_239 = arith.constant 0 : i32
        %add3A_240 = arith.addi %mul3A_238, %add3A_239 : i32
        %get3A = arith.index_cast %add3A_240 : i32 to index
        %get3A_241 = tpu.vector_load %arg9[%get3A] {strides = array<i32>} : memref<10368xi32, #tpu.memory_space<vmem>>, vector<16xi32>,
        %swap3A_242 = arith.constant 0 : index
        %swap3A_243 = tpu.vector_load %arg10[%swap3A_242] {strides = array<i32>} : memref<128xi32, #tpu.memory_space<vmem>>, vector<16xi32>,
        tpu.vector_store %arg10[%swap3A_242], %get3A_241 {strides = array<i32>} : memref<128xi32, #tpu.memory_space<vmem>>, vector<16xi32>,
        %mul3A_244 = arith.constant 128 : i32
        %mul3A_245 = arith.muli %add3A_230, %mul3A_244 : i32
        %add3A_246 = arith.constant 16 : i32
        %add3A_247 = arith.addi %mul3A_245, %add3A_246 : i32
        %get3A_248 = arith.index_cast %add3A_247 : i32 to index
        %get3A_249 = tpu.vector_load %arg9[%get3A_248] {strides = array<i32>} : memref<10368xi32, #tpu.memory_space<vmem>>, vector<16xi32>,
        %swap3A_250 = arith.constant 16 : index
        %swap3A_251 = tpu.vector_load %arg10[%swap3A_250] {strides = array<i32>} : memref<128xi32, #tpu.memory_space<vmem>>, vector<16xi32>,
        tpu.vector_store %arg10[%swap3A_250], %get3A_249 {strides = array<i32>} : memref<128xi32, #tpu.memory_space<vmem>>, vector<16xi32>,
        %mul3A_252 = arith.constant 128 : i32
        %mul3A_253 = arith.muli %add3A_230, %mul3A_252 : i32
        %add3A_254 = arith.constant 32 : i32
        %add3A_255 = arith.addi %mul3A_253, %add3A_254 : i32
        %get3A_256 = arith.index_cast %add3A_255 : i32 to index
        %get3A_257 = tpu.vector_load %arg9[%get3A_256] {strides = array<i32>} : memref<10368xi32, #tpu.memory_space<vmem>>, vector<16xi32>,
        %swap3A_258 = arith.constant 32 : index
        %swap3A_259 = tpu.vector_load %arg10[%swap3A_258] {strides = array<i32>} : memref<128xi32, #tpu.memory_space<vmem>>, vector<16xi32>,
        tpu.vector_store %arg10[%swap3A_258], %get3A_257 {strides = array<i32>} : memref<128xi32, #tpu.memory_space<vmem>>, vector<16xi32>,
        %mul3A_260 = arith.constant 128 : i32
        %mul3A_261 = arith.muli %add3A_230, %mul3A_260 : i32
        %add3A_262 = arith.constant 48 : i32
        %add3A_263 = arith.addi %mul3A_261, %add3A_262 : i32
        %get3A_264 = arith.index_cast %add3A_263 : i32 to index
        %get3A_265 = tpu.vector_load %arg9[%get3A_264] {strides = array<i32>} : memref<10368xi32, #tpu.memory_space<vmem>>, vector<16xi32>,
        %swap3A_266 = arith.constant 48 : index
        %swap3A_267 = tpu.vector_load %arg10[%swap3A_266] {strides = array<i32>} : memref<128xi32, #tpu.memory_space<vmem>>, vector<16xi32>,
        tpu.vector_store %arg10[%swap3A_266], %get3A_265 {strides = array<i32>} : memref<128xi32, #tpu.memory_space<vmem>>, vector<16xi32>,
        %mul3A_268 = arith.constant 128 : i32
        %mul3A_269 = arith.muli %add3A_230, %mul3A_268 : i32
        %add3A_270 = arith.constant 64 : i32
        %add3A_271 = arith.addi %mul3A_269, %add3A_270 : i32
        %get3A_272 = arith.index_cast %add3A_271 : i32 to index
        %get3A_273 = tpu.vector_load %arg9[%get3A_272] {strides = array<i32>} : memref<10368xi32, #tpu.memory_space<vmem>>, vector<16xi32>,
        %swap3A_274 = arith.constant 64 : index
        %swap3A_275 = tpu.vector_load %arg10[%swap3A_274] {strides = array<i32>} : memref<128xi32, #tpu.memory_space<vmem>>, vector<16xi32>,
        tpu.vector_store %arg10[%swap3A_274], %get3A_273 {strides = array<i32>} : memref<128xi32, #tpu.memory_space<vmem>>, vector<16xi32>,
        %mul3A_276 = arith.constant 128 : i32
        %mul3A_277 = arith.muli %add3A_230, %mul3A_276 : i32
        %add3A_278 = arith.constant 80 : i32
        %add3A_279 = arith.addi %mul3A_277, %add3A_278 : i32
        %get3A_280 = arith.index_cast %add3A_279 : i32 to index
        %get3A_281 = tpu.vector_load %arg9[%get3A_280] {strides = array<i32>} : memref<10368xi32, #tpu.memory_space<vmem>>, vector<16xi32>,
        %swap3A_282 = arith.constant 80 : index
        %swap3A_283 = tpu.vector_load %arg10[%swap3A_282] {strides = array<i32>} : memref<128xi32, #tpu.memory_space<vmem>>, vector<16xi32>,
        tpu.vector_store %arg10[%swap3A_282], %get3A_281 {strides = array<i32>} : memref<128xi32, #tpu.memory_space<vmem>>, vector<16xi32>,
        %mul3A_284 = arith.constant 128 : i32
        %mul3A_285 = arith.muli %add3A_230, %mul3A_284 : i32
        %add3A_286 = arith.constant 96 : i32
        %add3A_287 = arith.addi %mul3A_285, %add3A_286 : i32
        %get3A_288 = arith.index_cast %add3A_287 : i32 to index
        %get3A_289 = tpu.vector_load %arg9[%get3A_288] {strides = array<i32>} : memref<10368xi32, #tpu.memory_space<vmem>>, vector<16xi32>,
        %swap3A_290 = arith.constant 96 : index
        %swap3A_291 = tpu.vector_load %arg10[%swap3A_290] {strides = array<i32>} : memref<128xi32, #tpu.memory_space<vmem>>, vector<16xi32>,
        tpu.vector_store %arg10[%swap3A_290], %get3A_289 {strides = array<i32>} : memref<128xi32, #tpu.memory_space<vmem>>, vector<16xi32>,
        %mul3A_292 = arith.constant 128 : i32
        %mul3A_293 = arith.muli %add3A_230, %mul3A_292 : i32
        %add3A_294 = arith.constant 112 : i32
        %add3A_295 = arith.addi %mul3A_293, %add3A_294 : i32
        %get3A_296 = arith.index_cast %add3A_295 : i32 to index
        %get3A_297 = tpu.vector_load %arg9[%get3A_296] {strides = array<i32>} : memref<10368xi32, #tpu.memory_space<vmem>>, vector<16xi32>,
        %swap3A_298 = arith.constant 112 : index
        %swap3A_299 = tpu.vector_load %arg10[%swap3A_298] {strides = array<i32>} : memref<128xi32, #tpu.memory_space<vmem>>, vector<16xi32>,
        tpu.vector_store %arg10[%swap3A_298], %get3A_297 {strides = array<i32>} : memref<128xi32, #tpu.memory_space<vmem>>, vector<16xi32>,
      } else {
      }
      %add3A_222 = arith.constant 1 : i32
      %add3A_223 = arith.addi %mul3A_204, %add3A_222 : i32
      %lt3A_224 = arith.cmpi slt, %add3A_223, %select_n3A : i32
      %convert_element_type3A_225 = arith.extui %lt3A_224 : i1 to i32
      %cond3A_226 = arith.constant 0 : i32
      %cond3A_227 = arith.cmpi ne, %convert_element_type3A_225, %cond3A_226 : i32
      scf.if %cond3A_227 {
        %add3A_229 = arith.constant 1 : i32
        %add3A_230 = arith.addi %mul3A_204, %add3A_229 : i32
        %mul3A_231 = arith.constant 128 : i32
        %mul3A_232 = arith.muli %add3A_230, %mul3A_231 : i32
        %dma_wait3A_233 = tpu.memref_slice %arg8[%mul3A_232] : memref<10368xi32, #tpu.memory_space<vmem>> -> memref<128xi32, #tpu.memory_space<vmem>>
        %dma_wait3A_234 = arith.constant 0 : i32
        %dma_wait3A_235 = arith.constant 0 : i32
        %dma_wait3A_236 = tpu.memref_slice %arg16[%dma_wait3A_234, %dma_wait3A_235] : memref<5120x128xf32, #tpu.memory_space<vmem_shared>> -> memref<5120x128xf32, #tpu.memory_space<vmem_shared>>
        tpu.wait_indirect_dma semaphore(%arg18 : memref<!tpu.dma_semaphore, #tpu.memory_space<semaphore_mem>>) src(%dma_wait3A_236 : memref<5120x128xf32, #tpu.memory_space<vmem_shared>>) dst(%arg13 : memref<128x128xf32, #tpu.memory_space<vmem>>)
        "tpu.region"() ({
          %run_scoped3A = tpu.sem_alloc : memref<!tpu.dma_semaphore, #tpu.memory_space<semaphore_mem>>
          %dma_start3A_237 = arith.constant 0 : i32
          %dma_start3A_238 = arith.constant 0 : i32
          %dma_start3A_239 = tpu.memref_slice %arg15[%dma_start3A_237, %dma_start3A_238] : memref<2048x128xf32, #tpu.memory_space<vmem_shared>> -> memref<2048x128xf32, #tpu.memory_space<vmem_shared>>
          tpu.enqueue_indirect_dma source(%arg13 : memref<128x128xf32, #tpu.memory_space<vmem>>) target(%dma_start3A_239 : memref<2048x128xf32, #tpu.memory_space<vmem_shared>>) offsets(%arg11 : memref<128xi32, #tpu.memory_space<vmem>>) semaphore(%run_scoped3A : memref<!tpu.dma_semaphore, #tpu.memory_space<semaphore_mem>>) {add = true}
          %dma_wait3A_240 = arith.constant 0 : i32
          %dma_wait3A_241 = arith.constant 0 : i32
          %dma_wait3A_242 = tpu.memref_slice %arg15[%dma_wait3A_240, %dma_wait3A_241] : memref<2048x128xf32, #tpu.memory_space<vmem_shared>> -> memref<2048x128xf32, #tpu.memory_space<vmem_shared>>
          tpu.wait_indirect_dma semaphore(%run_scoped3A : memref<!tpu.dma_semaphore, #tpu.memory_space<semaphore_mem>>) src(%arg13 : memref<128x128xf32, #tpu.memory_space<vmem>>) dst(%dma_wait3A_242 : memref<2048x128xf32, #tpu.memory_space<vmem_shared>>)
          tpu.yield
        }) : () -> ()
      } else {
      }
      %while3A_228 = arith.constant 0 : i32
      scf.yield %while3A_228 : i32
    }
    %while3A_191 = arith.constant 1 : i32
    %while3A_192 = scf.for %while3A_201 = %while3A_188 to %while3A_184 step %while3A_191 iter_args(%while3A_202 = %while3A_190) -> (i32)  : i32 {
      %mul3A_203 = arith.constant 2 : i32
      %mul3A_204 = arith.muli %mul3A_203, %while3A_201 : i32
      %add3A_205 = arith.constant 1 : i32
      %add3A_206 = arith.addi %mul3A_204, %add3A_205 : i32
      %lt3A = arith.cmpi slt, %add3A_206, %select_n3A : i32
      %convert_element_type3A_207 = arith.extui %lt3A : i1 to i32
      %cond3A_208 = arith.constant 0 : i32
      %cond3A_209 = arith.cmpi ne, %convert_element_type3A_207, %cond3A_208 : i32
      scf.if %cond3A_209 {
        %add3A_229 = arith.constant 1 : i32
        %add3A_230 = arith.addi %mul3A_204, %add3A_229 : i32
        %mul3A_231 = arith.constant 128 : i32
        %mul3A_232 = arith.muli %add3A_230, %mul3A_231 : i32
        %dma_start3A_233 = tpu.memref_slice %arg8[%mul3A_232] : memref<10368xi32, #tpu.memory_space<vmem>> -> memref<128xi32, #tpu.memory_space<vmem>>
        %dma_start3A_234 = arith.constant 0 : i32
        %dma_start3A_235 = arith.constant 0 : i32
        %dma_start3A_236 = tpu.memref_slice %arg16[%dma_start3A_234, %dma_start3A_235] : memref<5120x128xf32, #tpu.memory_space<vmem_shared>> -> memref<5120x128xf32, #tpu.memory_space<vmem_shared>>
        tpu.enqueue_indirect_dma source(%dma_start3A_236 : memref<5120x128xf32, #tpu.memory_space<vmem_shared>>) target(%arg13 : memref<128x128xf32, #tpu.memory_space<vmem>>) offsets(%dma_start3A_233 : memref<128xi32, #tpu.memory_space<vmem>>) semaphore(%arg18 : memref<!tpu.dma_semaphore, #tpu.memory_space<semaphore_mem>>)
        %mul3A_237 = arith.constant 128 : i32
        %mul3A_238 = arith.muli %add3A_230, %mul3A_237 : i32
        %add3A_239 = arith.constant 0 : i32
        %add3A_240 = arith.addi %mul3A_238, %add3A_239 : i32
        %get3A = arith.index_cast %add3A_240 : i32 to index
        %get3A_241 = tpu.vector_load %arg9[%get3A] {strides = array<i32>} : memref<10368xi32, #tpu.memory_space<vmem>>, vector<16xi32>,
        %swap3A_242 = arith.constant 0 : index
        %swap3A_243 = tpu.vector_load %arg11[%swap3A_242] {strides = array<i32>} : memref<128xi32, #tpu.memory_space<vmem>>, vector<16xi32>,
        tpu.vector_store %arg11[%swap3A_242], %get3A_241 {strides = array<i32>} : memref<128xi32, #tpu.memory_space<vmem>>, vector<16xi32>,
        %mul3A_244 = arith.constant 128 : i32
        %mul3A_245 = arith.muli %add3A_230, %mul3A_244 : i32
        %add3A_246 = arith.constant 16 : i32
        %add3A_247 = arith.addi %mul3A_245, %add3A_246 : i32
        %get3A_248 = arith.index_cast %add3A_247 : i32 to index
        %get3A_249 = tpu.vector_load %arg9[%get3A_248] {strides = array<i32>} : memref<10368xi32, #tpu.memory_space<vmem>>, vector<16xi32>,
        %swap3A_250 = arith.constant 16 : index
        %swap3A_251 = tpu.vector_load %arg11[%swap3A_250] {strides = array<i32>} : memref<128xi32, #tpu.memory_space<vmem>>, vector<16xi32>,
        tpu.vector_store %arg11[%swap3A_250], %get3A_249 {strides = array<i32>} : memref<128xi32, #tpu.memory_space<vmem>>, vector<16xi32>,
        %mul3A_252 = arith.constant 128 : i32
        %mul3A_253 = arith.muli %add3A_230, %mul3A_252 : i32
        %add3A_254 = arith.constant 32 : i32
        %add3A_255 = arith.addi %mul3A_253, %add3A_254 : i32
        %get3A_256 = arith.index_cast %add3A_255 : i32 to index
        %get3A_257 = tpu.vector_load %arg9[%get3A_256] {strides = array<i32>} : memref<10368xi32, #tpu.memory_space<vmem>>, vector<16xi32>,
        %swap3A_258 = arith.constant 32 : index
        %swap3A_259 = tpu.vector_load %arg11[%swap3A_258] {strides = array<i32>} : memref<128xi32, #tpu.memory_space<vmem>>, vector<16xi32>,
        tpu.vector_store %arg11[%swap3A_258], %get3A_257 {strides = array<i32>} : memref<128xi32, #tpu.memory_space<vmem>>, vector<16xi32>,
        %mul3A_260 = arith.constant 128 : i32
        %mul3A_261 = arith.muli %add3A_230, %mul3A_260 : i32
        %add3A_262 = arith.constant 48 : i32
        %add3A_263 = arith.addi %mul3A_261, %add3A_262 : i32
        %get3A_264 = arith.index_cast %add3A_263 : i32 to index
        %get3A_265 = tpu.vector_load %arg9[%get3A_264] {strides = array<i32>} : memref<10368xi32, #tpu.memory_space<vmem>>, vector<16xi32>,
        %swap3A_266 = arith.constant 48 : index
        %swap3A_267 = tpu.vector_load %arg11[%swap3A_266] {strides = array<i32>} : memref<128xi32, #tpu.memory_space<vmem>>, vector<16xi32>,
        tpu.vector_store %arg11[%swap3A_266], %get3A_265 {strides = array<i32>} : memref<128xi32, #tpu.memory_space<vmem>>, vector<16xi32>,
        %mul3A_268 = arith.constant 128 : i32
        %mul3A_269 = arith.muli %add3A_230, %mul3A_268 : i32
        %add3A_270 = arith.constant 64 : i32
        %add3A_271 = arith.addi %mul3A_269, %add3A_270 : i32
        %get3A_272 = arith.index_cast %add3A_271 : i32 to index
        %get3A_273 = tpu.vector_load %arg9[%get3A_272] {strides = array<i32>} : memref<10368xi32, #tpu.memory_space<vmem>>, vector<16xi32>,
        %swap3A_274 = arith.constant 64 : index
        %swap3A_275 = tpu.vector_load %arg11[%swap3A_274] {strides = array<i32>} : memref<128xi32, #tpu.memory_space<vmem>>, vector<16xi32>,
        tpu.vector_store %arg11[%swap3A_274], %get3A_273 {strides = array<i32>} : memref<128xi32, #tpu.memory_space<vmem>>, vector<16xi32>,
        %mul3A_276 = arith.constant 128 : i32
        %mul3A_277 = arith.muli %add3A_230, %mul3A_276 : i32
        %add3A_278 = arith.constant 80 : i32
        %add3A_279 = arith.addi %mul3A_277, %add3A_278 : i32
        %get3A_280 = arith.index_cast %add3A_279 : i32 to index
        %get3A_281 = tpu.vector_load %arg9[%get3A_280] {strides = array<i32>} : memref<10368xi32, #tpu.memory_space<vmem>>, vector<16xi32>,
        %swap3A_282 = arith.constant 80 : index
        %swap3A_283 = tpu.vector_load %arg11[%swap3A_282] {strides = array<i32>} : memref<128xi32, #tpu.memory_space<vmem>>, vector<16xi32>,
        tpu.vector_store %arg11[%swap3A_282], %get3A_281 {strides = array<i32>} : memref<128xi32, #tpu.memory_space<vmem>>, vector<16xi32>,
        %mul3A_284 = arith.constant 128 : i32
        %mul3A_285 = arith.muli %add3A_230, %mul3A_284 : i32
        %add3A_286 = arith.constant 96 : i32
        %add3A_287 = arith.addi %mul3A_285, %add3A_286 : i32
        %get3A_288 = arith.index_cast %add3A_287 : i32 to index
        %get3A_289 = tpu.vector_load %arg9[%get3A_288] {strides = array<i32>} : memref<10368xi32, #tpu.memory_space<vmem>>, vector<16xi32>,
        %swap3A_290 = arith.constant 96 : index
        %swap3A_291 = tpu.vector_load %arg11[%swap3A_290] {strides = array<i32>} : memref<128xi32, #tpu.memory_space<vmem>>, vector<16xi32>,
        tpu.vector_store %arg11[%swap3A_290], %get3A_289 {strides = array<i32>} : memref<128xi32, #tpu.memory_space<vmem>>, vector<16xi32>,
        %mul3A_292 = arith.constant 128 : i32
        %mul3A_293 = arith.muli %add3A_230, %mul3A_292 : i32
        %add3A_294 = arith.constant 112 : i32
        %add3A_295 = arith.addi %mul3A_293, %add3A_294 : i32
        %get3A_296 = arith.index_cast %add3A_295 : i32 to index
        %get3A_297 = tpu.vector_load %arg9[%get3A_296] {strides = array<i32>} : memref<10368xi32, #tpu.memory_space<vmem>>, vector<16xi32>,
        %swap3A_298 = arith.constant 112 : index
        %swap3A_299 = tpu.vector_load %arg11[%swap3A_298] {strides = array<i32>} : memref<128xi32, #tpu.memory_space<vmem>>, vector<16xi32>,
        tpu.vector_store %arg11[%swap3A_298], %get3A_297 {strides = array<i32>} : memref<128xi32, #tpu.memory_space<vmem>>, vector<16xi32>,
      } else {
      }
      %mul3A_210 = arith.constant 128 : i32
      %mul3A_211 = arith.muli %mul3A_204, %mul3A_210 : i32
      %dma_wait3A_212 = tpu.memref_slice %arg8[%mul3A_211] : memref<10368xi32, #tpu.memory_space<vmem>> -> memref<128xi32, #tpu.memory_space<vmem>>
      %dma_wait3A_213 = arith.constant 0 : i32
      %dma_wait3A_214 = arith.constant 0 : i32
      %dma_wait3A_215 = tpu.memref_slice %arg16[%dma_wait3A_213, %dma_wait3A_214] : memref<5120x128xf32, #tpu.memory_space<vmem_shared>> -> memref<5120x128xf32, #tpu.memory_space<vmem_shared>>
      tpu.wait_indirect_dma semaphore(%arg17 : memref<!tpu.dma_semaphore, #tpu.memory_space<semaphore_mem>>) src(%dma_wait3A_215 : memref<5120x128xf32, #tpu.memory_space<vmem_shared>>) dst(%arg12 : memref<128x128xf32, #tpu.memory_space<vmem>>)
      "tpu.region"() ({
        %run_scoped3A = tpu.sem_alloc : memref<!tpu.dma_semaphore, #tpu.memory_space<semaphore_mem>>
        %dma_start3A_229 = arith.constant 0 : i32
        %dma_start3A_230 = arith.constant 0 : i32
        %dma_start3A_231 = tpu.memref_slice %arg15[%dma_start3A_229, %dma_start3A_230] : memref<2048x128xf32, #tpu.memory_space<vmem_shared>> -> memref<2048x128xf32, #tpu.memory_space<vmem_shared>>
        tpu.enqueue_indirect_dma source(%arg12 : memref<128x128xf32, #tpu.memory_space<vmem>>) target(%dma_start3A_231 : memref<2048x128xf32, #tpu.memory_space<vmem_shared>>) offsets(%arg10 : memref<128xi32, #tpu.memory_space<vmem>>) semaphore(%run_scoped3A : memref<!tpu.dma_semaphore, #tpu.memory_space<semaphore_mem>>) {add = true}
        %dma_wait3A_232 = arith.constant 0 : i32
        %dma_wait3A_233 = arith.constant 0 : i32
        %dma_wait3A_234 = tpu.memref_slice %arg15[%dma_wait3A_232, %dma_wait3A_233] : memref<2048x128xf32, #tpu.memory_space<vmem_shared>> -> memref<2048x128xf32, #tpu.memory_space<vmem_shared>>
        tpu.wait_indirect_dma semaphore(%run_scoped3A : memref<!tpu.dma_semaphore, #tpu.memory_space<semaphore_mem>>) src(%arg12 : memref<128x128xf32, #tpu.memory_space<vmem>>) dst(%dma_wait3A_234 : memref<2048x128xf32, #tpu.memory_space<vmem_shared>>)
        tpu.yield
      }) : () -> ()
      %add3A_216 = arith.constant 2 : i32
      %add3A_217 = arith.addi %mul3A_204, %add3A_216 : i32
      %lt3A_218 = arith.cmpi slt, %add3A_217, %select_n3A : i32
      %convert_element_type3A_219 = arith.extui %lt3A_218 : i1 to i32
      %cond3A_220 = arith.constant 0 : i32
      %cond3A_221 = arith.cmpi ne, %convert_element_type3A_219, %cond3A_220 : i32
      scf.if %cond3A_221 {
        %add3A_229 = arith.constant 2 : i32
        %add3A_230 = arith.addi %mul3A_204, %add3A_229 : i32
        %mul3A_231 = arith.constant 128 : i32
        %mul3A_232 = arith.muli %add3A_230, %mul3A_231 : i32
        %dma_start3A_233 = tpu.memref_slice %arg8[%mul3A_232] : memref<10368xi32, #tpu.memory_space<vmem>> -> memref<128xi32, #tpu.memory_space<vmem>>
        %dma_start3A_234 = arith.constant 0 : i32
        %dma_start3A_235 = arith.constant 0 : i32
        %dma_start3A_236 = tpu.memref_slice %arg16[%dma_start3A_234, %dma_start3A_235] : memref<5120x128xf32, #tpu.memory_space<vmem_shared>> -> memref<5120x128xf32, #tpu.memory_space<vmem_shared>>
        tpu.enqueue_indirect_dma source(%dma_start3A_236 : memref<5120x128xf32, #tpu.memory_space<vmem_shared>>) target(%arg12 : memref<128x128xf32, #tpu.memory_space<vmem>>) offsets(%dma_start3A_233 : memref<128xi32, #tpu.memory_space<vmem>>) semaphore(%arg17 : memref<!tpu.dma_semaphore, #tpu.memory_space<semaphore_mem>>)
        %mul3A_237 = arith.constant 128 : i32
        %mul3A_238 = arith.muli %add3A_230, %mul3A_237 : i32
        %add3A_239 = arith.constant 0 : i32
        %add3A_240 = arith.addi %mul3A_238, %add3A_239 : i32
        %get3A = arith.index_cast %add3A_240 : i32 to index
        %get3A_241 = tpu.vector_load %arg9[%get3A] {strides = array<i32>} : memref<10368xi32, #tpu.memory_space<vmem>>, vector<16xi32>,
        %swap3A_242 = arith.constant 0 : index
        %swap3A_243 = tpu.vector_load %arg10[%swap3A_242] {strides = array<i32>} : memref<128xi32, #tpu.memory_space<vmem>>, vector<16xi32>,
        tpu.vector_store %arg10[%swap3A_242], %get3A_241 {strides = array<i32>} : memref<128xi32, #tpu.memory_space<vmem>>, vector<16xi32>,
        %mul3A_244 = arith.constant 128 : i32
        %mul3A_245 = arith.muli %add3A_230, %mul3A_244 : i32
        %add3A_246 = arith.constant 16 : i32
        %add3A_247 = arith.addi %mul3A_245, %add3A_246 : i32
        %get3A_248 = arith.index_cast %add3A_247 : i32 to index
        %get3A_249 = tpu.vector_load %arg9[%get3A_248] {strides = array<i32>} : memref<10368xi32, #tpu.memory_space<vmem>>, vector<16xi32>,
        %swap3A_250 = arith.constant 16 : index
        %swap3A_251 = tpu.vector_load %arg10[%swap3A_250] {strides = array<i32>} : memref<128xi32, #tpu.memory_space<vmem>>, vector<16xi32>,
        tpu.vector_store %arg10[%swap3A_250], %get3A_249 {strides = array<i32>} : memref<128xi32, #tpu.memory_space<vmem>>, vector<16xi32>,
        %mul3A_252 = arith.constant 128 : i32
        %mul3A_253 = arith.muli %add3A_230, %mul3A_252 : i32
        %add3A_254 = arith.constant 32 : i32
        %add3A_255 = arith.addi %mul3A_253, %add3A_254 : i32
        %get3A_256 = arith.index_cast %add3A_255 : i32 to index
        %get3A_257 = tpu.vector_load %arg9[%get3A_256] {strides = array<i32>} : memref<10368xi32, #tpu.memory_space<vmem>>, vector<16xi32>,
        %swap3A_258 = arith.constant 32 : index
        %swap3A_259 = tpu.vector_load %arg10[%swap3A_258] {strides = array<i32>} : memref<128xi32, #tpu.memory_space<vmem>>, vector<16xi32>,
        tpu.vector_store %arg10[%swap3A_258], %get3A_257 {strides = array<i32>} : memref<128xi32, #tpu.memory_space<vmem>>, vector<16xi32>,
        %mul3A_260 = arith.constant 128 : i32
        %mul3A_261 = arith.muli %add3A_230, %mul3A_260 : i32
        %add3A_262 = arith.constant 48 : i32
        %add3A_263 = arith.addi %mul3A_261, %add3A_262 : i32
        %get3A_264 = arith.index_cast %add3A_263 : i32 to index
        %get3A_265 = tpu.vector_load %arg9[%get3A_264] {strides = array<i32>} : memref<10368xi32, #tpu.memory_space<vmem>>, vector<16xi32>,
        %swap3A_266 = arith.constant 48 : index
        %swap3A_267 = tpu.vector_load %arg10[%swap3A_266] {strides = array<i32>} : memref<128xi32, #tpu.memory_space<vmem>>, vector<16xi32>,
        tpu.vector_store %arg10[%swap3A_266], %get3A_265 {strides = array<i32>} : memref<128xi32, #tpu.memory_space<vmem>>, vector<16xi32>,
        %mul3A_268 = arith.constant 128 : i32
        %mul3A_269 = arith.muli %add3A_230, %mul3A_268 : i32
        %add3A_270 = arith.constant 64 : i32
        %add3A_271 = arith.addi %mul3A_269, %add3A_270 : i32
        %get3A_272 = arith.index_cast %add3A_271 : i32 to index
        %get3A_273 = tpu.vector_load %arg9[%get3A_272] {strides = array<i32>} : memref<10368xi32, #tpu.memory_space<vmem>>, vector<16xi32>,
        %swap3A_274 = arith.constant 64 : index
        %swap3A_275 = tpu.vector_load %arg10[%swap3A_274] {strides = array<i32>} : memref<128xi32, #tpu.memory_space<vmem>>, vector<16xi32>,
        tpu.vector_store %arg10[%swap3A_274], %get3A_273 {strides = array<i32>} : memref<128xi32, #tpu.memory_space<vmem>>, vector<16xi32>,
        %mul3A_276 = arith.constant 128 : i32
        %mul3A_277 = arith.muli %add3A_230, %mul3A_276 : i32
        %add3A_278 = arith.constant 80 : i32
        %add3A_279 = arith.addi %mul3A_277, %add3A_278 : i32
        %get3A_280 = arith.index_cast %add3A_279 : i32 to index
        %get3A_281 = tpu.vector_load %arg9[%get3A_280] {strides = array<i32>} : memref<10368xi32, #tpu.memory_space<vmem>>, vector<16xi32>,
        %swap3A_282 = arith.constant 80 : index
        %swap3A_283 = tpu.vector_load %arg10[%swap3A_282] {strides = array<i32>} : memref<128xi32, #tpu.memory_space<vmem>>, vector<16xi32>,
        tpu.vector_store %arg10[%swap3A_282], %get3A_281 {strides = array<i32>} : memref<128xi32, #tpu.memory_space<vmem>>, vector<16xi32>,
        %mul3A_284 = arith.constant 128 : i32
        %mul3A_285 = arith.muli %add3A_230, %mul3A_284 : i32
        %add3A_286 = arith.constant 96 : i32
        %add3A_287 = arith.addi %mul3A_285, %add3A_286 : i32
        %get3A_288 = arith.index_cast %add3A_287 : i32 to index
        %get3A_289 = tpu.vector_load %arg9[%get3A_288] {strides = array<i32>} : memref<10368xi32, #tpu.memory_space<vmem>>, vector<16xi32>,
        %swap3A_290 = arith.constant 96 : index
        %swap3A_291 = tpu.vector_load %arg10[%swap3A_290] {strides = array<i32>} : memref<128xi32, #tpu.memory_space<vmem>>, vector<16xi32>,
        tpu.vector_store %arg10[%swap3A_290], %get3A_289 {strides = array<i32>} : memref<128xi32, #tpu.memory_space<vmem>>, vector<16xi32>,
        %mul3A_292 = arith.constant 128 : i32
        %mul3A_293 = arith.muli %add3A_230, %mul3A_292 : i32
        %add3A_294 = arith.constant 112 : i32
        %add3A_295 = arith.addi %mul3A_293, %add3A_294 : i32
        %get3A_296 = arith.index_cast %add3A_295 : i32 to index
        %get3A_297 = tpu.vector_load %arg9[%get3A_296] {strides = array<i32>} : memref<10368xi32, #tpu.memory_space<vmem>>, vector<16xi32>,
        %swap3A_298 = arith.constant 112 : index
        %swap3A_299 = tpu.vector_load %arg10[%swap3A_298] {strides = array<i32>} : memref<128xi32, #tpu.memory_space<vmem>>, vector<16xi32>,
        tpu.vector_store %arg10[%swap3A_298], %get3A_297 {strides = array<i32>} : memref<128xi32, #tpu.memory_space<vmem>>, vector<16xi32>,
      } else {
      }
      %add3A_222 = arith.constant 1 : i32
      %add3A_223 = arith.addi %mul3A_204, %add3A_222 : i32
      %lt3A_224 = arith.cmpi slt, %add3A_223, %select_n3A : i32
      %convert_element_type3A_225 = arith.extui %lt3A_224 : i1 to i32
      %cond3A_226 = arith.constant 0 : i32
      %cond3A_227 = arith.cmpi ne, %convert_element_type3A_225, %cond3A_226 : i32
      scf.if %cond3A_227 {
        %add3A_229 = arith.constant 1 : i32
        %add3A_230 = arith.addi %mul3A_204, %add3A_229 : i32
        %mul3A_231 = arith.constant 128 : i32
        %mul3A_232 = arith.muli %add3A_230, %mul3A_231 : i32
        %dma_wait3A_233 = tpu.memref_slice %arg8[%mul3A_232] : memref<10368xi32, #tpu.memory_space<vmem>> -> memref<128xi32, #tpu.memory_space<vmem>>
        %dma_wait3A_234 = arith.constant 0 : i32
        %dma_wait3A_235 = arith.constant 0 : i32
        %dma_wait3A_236 = tpu.memref_slice %arg16[%dma_wait3A_234, %dma_wait3A_235] : memref<5120x128xf32, #tpu.memory_space<vmem_shared>> -> memref<5120x128xf32, #tpu.memory_space<vmem_shared>>
        tpu.wait_indirect_dma semaphore(%arg18 : memref<!tpu.dma_semaphore, #tpu.memory_space<semaphore_mem>>) src(%dma_wait3A_236 : memref<5120x128xf32, #tpu.memory_space<vmem_shared>>) dst(%arg13 : memref<128x128xf32, #tpu.memory_space<vmem>>)
        "tpu.region"() ({
          %run_scoped3A = tpu.sem_alloc : memref<!tpu.dma_semaphore, #tpu.memory_space<semaphore_mem>>
          %dma_start3A_237 = arith.constant 0 : i32
          %dma_start3A_238 = arith.constant 0 : i32
          %dma_start3A_239 = tpu.memref_slice %arg15[%dma_start3A_237, %dma_start3A_238] : memref<2048x128xf32, #tpu.memory_space<vmem_shared>> -> memref<2048x128xf32, #tpu.memory_space<vmem_shared>>
          tpu.enqueue_indirect_dma source(%arg13 : memref<128x128xf32, #tpu.memory_space<vmem>>) target(%dma_start3A_239 : memref<2048x128xf32, #tpu.memory_space<vmem_shared>>) offsets(%arg11 : memref<128xi32, #tpu.memory_space<vmem>>) semaphore(%run_scoped3A : memref<!tpu.dma_semaphore, #tpu.memory_space<semaphore_mem>>) {add = true}
          %dma_wait3A_240 = arith.constant 0 : i32
          %dma_wait3A_241 = arith.constant 0 : i32
          %dma_wait3A_242 = tpu.memref_slice %arg15[%dma_wait3A_240, %dma_wait3A_241] : memref<2048x128xf32, #tpu.memory_space<vmem_shared>> -> memref<2048x128xf32, #tpu.memory_space<vmem_shared>>
          tpu.wait_indirect_dma semaphore(%run_scoped3A : memref<!tpu.dma_semaphore, #tpu.memory_space<semaphore_mem>>) src(%arg13 : memref<128x128xf32, #tpu.memory_space<vmem>>) dst(%dma_wait3A_242 : memref<2048x128xf32, #tpu.memory_space<vmem_shared>>)
          tpu.yield
        }) : () -> ()
      } else {
      }
      %while3A_228 = arith.constant 0 : i32
      scf.yield %while3A_228 : i32
    }
    %barrier3A_193 = arith.constant 0 : index
    tpu.barrier barrier_id(%barrier3A_193)
    %mul3A_194 = arith.constant 128 : i32
    %mul3A_195 = arith.muli %arg1, %mul3A_194 : i32
    %mul3A_196 = arith.constant 2048 : i32
    %mul3A_197 = arith.muli %arg0, %mul3A_196 : i32
    %mul3A_198 = arith.constant 128 : i32
    %mul3A_199 = arith.muli %arg1, %mul3A_198 : i32
    %add3A_200 = arith.addi %mul3A_197, %mul3A_199 : i32
    "tpu.region"() ({
      %run_scoped3A = tpu.sem_alloc : memref<!tpu.dma_semaphore, #tpu.memory_space<semaphore_mem>>
      %dma_start3A_201 = arith.constant 0 : i32
      %dma_start3A_202 = tpu.memref_slice %arg6[%add3A_200, %dma_start3A_201] : memref<4096x128xf32, #tpu.memory_space<hbm>> -> memref<128x128xf32, #tpu.memory_space<hbm>>
      %dma_start3A_203 = arith.constant 0 : i32
      %dma_start3A_204 = tpu.memref_slice %arg15[%mul3A_195, %dma_start3A_203] : memref<2048x128xf32, #tpu.memory_space<vmem_shared>> -> memref<128x128xf32, #tpu.memory_space<vmem_shared>>
      tpu.enqueue_dma source(%dma_start3A_204 : memref<128x128xf32, #tpu.memory_space<vmem_shared>>) target(%dma_start3A_202 : memref<128x128xf32, #tpu.memory_space<hbm>>) target_semaphore(%run_scoped3A : memref<!tpu.dma_semaphore, #tpu.memory_space<semaphore_mem>>)
      %dma_wait3A_205 = arith.constant 0 : i32
      %dma_wait3A_206 = tpu.memref_slice %arg6[%add3A_200, %dma_wait3A_205] : memref<4096x128xf32, #tpu.memory_space<hbm>> -> memref<128x128xf32, #tpu.memory_space<hbm>>
      %dma_wait3A_207 = arith.constant 0 : i32
      %dma_wait3A_208 = tpu.memref_slice %arg15[%mul3A_195, %dma_wait3A_207] : memref<2048x128xf32, #tpu.memory_space<vmem_shared>> -> memref<128x128xf32, #tpu.memory_space<vmem_shared>>
      tpu.wait_dma2 semaphore(%run_scoped3A : memref<!tpu.dma_semaphore, #tpu.memory_space<semaphore_mem>>) src(%dma_wait3A_208 : memref<128x128xf32, #tpu.memory_space<vmem_shared>>) dst(%dma_wait3A_206 : memref<128x128xf32, #tpu.memory_space<hbm>>)
      tpu.yield
    }) : () -> ()
    "tpu.region"() ({
      %run_scoped3A = tpu.sem_alloc : memref<!tpu.dma_semaphore, #tpu.memory_space<semaphore_mem>>
      %dma_start3A_201 = arith.constant 0 : i32
      %dma_start3A_202 = tpu.memref_slice %arg7[%add3A, %dma_start3A_201] : memref<32x2048xf32, #tpu.memory_space<hbm>> -> memref<1x2048xf32, #tpu.memory_space<hbm>>
      %dma_start3A_203 = tpu.memref_squeeze %dma_start3A_202 : memref<1x2048xf32, #tpu.memory_space<hbm>> -> memref<2048xf32, #tpu.memory_space<hbm>>
      %dma_start3A_204 = arith.constant 0 : i32
      %dma_start3A_205 = tpu.memref_slice %arg7[%add3A, %dma_start3A_204] : memref<32x2048xf32, #tpu.memory_space<hbm>> -> memref<1x2048xf32, #tpu.memory_space<hbm>>
      %dma_start3A_206 = tpu.memref_squeeze %dma_start3A_205 : memref<1x2048xf32, #tpu.memory_space<hbm>> -> memref<2048xf32, #tpu.memory_space<hbm>>
      tpu.enqueue_dma source(%arg14 : memref<2048xf32, #tpu.memory_space<vmem>>) target(%dma_start3A_206 : memref<2048xf32, #tpu.memory_space<hbm>>) target_semaphore(%run_scoped3A : memref<!tpu.dma_semaphore, #tpu.memory_space<semaphore_mem>>)
      %dma_wait3A_207 = arith.constant 0 : i32
      %dma_wait3A_208 = tpu.memref_slice %arg7[%add3A, %dma_wait3A_207] : memref<32x2048xf32, #tpu.memory_space<hbm>> -> memref<1x2048xf32, #tpu.memory_space<hbm>>
      %dma_wait3A_209 = tpu.memref_squeeze %dma_wait3A_208 : memref<1x2048xf32, #tpu.memory_space<hbm>> -> memref<2048xf32, #tpu.memory_space<hbm>>
      %dma_wait3A_210 = arith.constant 0 : i32
      %dma_wait3A_211 = tpu.memref_slice %arg7[%add3A, %dma_wait3A_210] : memref<32x2048xf32, #tpu.memory_space<hbm>> -> memref<1x2048xf32, #tpu.memory_space<hbm>>
      %dma_wait3A_212 = tpu.memref_squeeze %dma_wait3A_211 : memref<1x2048xf32, #tpu.memory_space<hbm>> -> memref<2048xf32, #tpu.memory_space<hbm>>
      tpu.wait_dma2 semaphore(%run_scoped3A : memref<!tpu.dma_semaphore, #tpu.memory_space<semaphore_mem>>) src(%arg14 : memref<2048xf32, #tpu.memory_space<vmem>>) dst(%dma_wait3A_212 : memref<2048xf32, #tpu.memory_space<hbm>>)
      tpu.yield
    }) : () -> ()
    return
  }
}

</mosaic_0001>

<sc_bundles>
// kernel: _sc_segment_sum.3.cloned.1.call-start
scs
__scs_entry_jumppad:
0x0: {  	(pc) =	sbr.rel $0x88, $3  }
0x1: {  	(tag) =	ssettag $0x0;
	lr =	simm.s32 $0x1  }
0x2: {  	[smem:$0x3F9D] =	sst lr;
	_ =	strace $0xD0000000  }
0x3: {  	_ = 	snop  }
0x4: {  	_ = 	snop  }
0x5: {  	_ = 	snop  }
0x6: {  	_ = 	snop  }
0x7: {  	_ = 	snop  }
__scs_overlays_trampoline_lowered:
0x8: {  	[smem:$0x3FAC] =	sst s0  }
0x9: {  	[smem:$0x3FAD] =	sst s1  }
0xa: {  	[smem:$0x3FAE] =	sst s2  }
0xb: {  	[smem:$0x3FAF] =	sst s3  }
0xc: {  	[smem:$0x3FB0] =	sst s4  }
0xd: {  	[smem:$0x3FB1] =	sst s5  }
0xe: {  	[smem:$0x3FB2] =	sst s6  }
0xf: {  	[smem:$0x3FB3] =	sst s7  }
0x10: {  	[smem:$0x3FB4] =	sst s8  }
0x11: {  	[smem:$0x3FB5] =	sst s9;
	s0 =	simm.s32 @!p0 $0x0  }
0x12: {  	s1 =	sld [smem:$0x3F9B];
	s0 =	simm.s32 @p0 $0x1  }
0x13: {  	[smem:$0x3FB6] =	sst s0;
	s0 =	simm.s32 @!p1 $0x0  }
0x14: {  	s2 =	sld [smem:$0x3F9A];
	s0 =	simm.s32 @p1 $0x1  }
0x15: {  	[smem:$0x3FB7] =	sst s0;
	s0 =	simm.s32 @!p2 $0x0  }
0x16: {  	s3 =	sld [smem:$0x3FDB];
	s0 =	simm.s32 @p2 $0x1  }
0x17: {  	s4 =	simm.s32 $0x1BF5;
	[smem:$0x3FB9] =	sst s0  }
0x18: {  	s0 =	sld [smem:$0x3F9C];
	_ =	swait.ge [sflag:s4], $0x0  }
0x19: {  	s7 =	sld [smem:$0x3F9D]  }
0x1a: {  	s8 =	sadd.s32 $0xFFFFE003, lr  }
0x1b: {  	s9 =	sadd.s32 $0xFFFFFEF7, lr;
	s5 =	simm.s32 $0xFFFFFFFF;
	p2 =	slt.u32 s8, $0xFFFFF086  }
0x1c: {  	p1 =	slt.u32 s9, $0xF7A;
	s5 =	simm.s32 @!p2 $0x0  }
0x1d: {  	s5 =	simm.s32 @p1 $0x1;
	p0 =	seq.s32 s7, s2  }
0x1e: {  	s7 =	smul.u32 @!p0 $0xF7A, s2;
	p2 =	seq.s32 @!p0 s5, $0x0  }
0x1f: {  	s9 =	smul.u32 $0xF7A, s1;
	s8 =	simm.s32 @!p0 $0x1BF5;
	p2 =	por !p2, p0  }
0x20: {  	[sflag:s8] =	ssyncset.s32 @!p0 $0xFFFFF086;
	s6 =	sadd.s32 @!p0 s3, s7;
	s7 =	simm.s32 @!p0 $0x108  }
0x21: {  	s3 =	sadd.s32 s3, s9;
	s6 =	sadd.s32 @!p0 $0x88, s6;
	s7 =	simm.s32 @p2 $0x1082  }
0x22: {  	[simem:s7], [sflag:s8] =	dma.local @!p0 [hbm:s6], $0xF7A  }
0x23: {  	s9 =	sor.u32 $0xD0000000, s2;
	s6 =	simm.s32 $0x108;
	_ =	swait.ge @!p0 [sflag:s8], $0x0  }
0x24: {  	s3 =	sadd.s32 $0x88, s3;
	s6 =	simm.s32 @!p1 $0x1082;
	[sflag:s4] =	ssyncset.s32 $0xFFFFF086  }
0x25: {  	[simem:s6], [sflag:s4] =	dma.local [hbm:s3], $0xF7A  }
0x26: {  	[smem:$0x3F9D] =	sst s1;
	(tag) =	ssettag s2;
	_ =	strace s9  }
0x27: {  	s1 =	sld [smem:$0x3FAD]  }
0x28: {  	s2 =	sld [smem:$0x3FAE]  }
0x29: {  	s4 =	sld [smem:$0x3FB0]  }
0x2a: {  	p0 =	seq.s32 s5, $0x0;
	s5 =	sld [smem:$0x3FB1]  }
0x2b: {  	s6 =	sld [smem:$0x3FB2]  }
0x2c: {  	s7 =	sld [smem:$0x3FB3]  }
0x2d: {  	s3 =	simm.s32 $0x108;
	s8 =	sld [smem:$0x3FB4]  }
0x2e: {  	s3 =	simm.s32 @!p0 $0x1082;
	s9 =	sld [smem:$0x3FB5]  }
0x2f: {  	lr =	sadd.s32 s0, s3;
	s0 =	sld [smem:$0x3FAC]  }
0x30: {  	s3 =	sld [smem:$0x3FAF]  }
0x31: {  	[smem:$0x3FB8] =	sst s10  }
0x32: {  	s10 =	sld [smem:$0x3FB6];
	_ =	sdelay $0x3  }
0x33: {  	p0 =	seq.s32 s10, $0x1;
	s10 =	sld [smem:$0x3FB8];
	_ =	sdelay $0x3  }
0x34: {  	[smem:$0x3FB8] =	sst s10  }
0x35: {  	s10 =	sld [smem:$0x3FB7];
	_ =	sdelay $0x3  }
0x36: {  	p1 =	seq.s32 s10, $0x1;
	s10 =	sld [smem:$0x3FB8];
	_ =	sdelay $0x3  }
0x37: {  	[smem:$0x3FB8] =	sst s10  }
0x38: {  	s10 =	sld [smem:$0x3FB9]  }
0x39: {  	_ = 	snop;
	(pc) =	sbr.ind lr, $3  }
0x3a: {  	_ = 	snop  }
0x3b: {  	_ = 	snop  }
0x3c: {  	p2 =	seq.s32 s10, $0x1;
	s10 =	sld [smem:$0x3FB8]  }
0x3d: {  	_ =	shalt  }
0x3e: {  	_ =	shalt  }
0x3f: {  	_ =	shalt  }
0x40: {  	_ =	shalt  }
0x41: {  	_ =	shalt  }
0x42: {  	_ =	shalt  }
0x43: {  	_ =	shalt  }
0x44: {  	_ =	shalt  }
0x45: {  	_ =	shalt  }
0x46: {  	_ =	shalt  }
0x47: {  	_ =	shalt  }
0x48: {  	_ =	shalt  }
0x49: {  	_ =	shalt  }
0x4a: {  	_ =	shalt  }
0x4b: {  	_ =	shalt  }
0x4c: {  	_ =	shalt  }
0x4d: {  	_ =	shalt  }
0x4e: {  	_ =	shalt  }
0x4f: {  	_ =	shalt  }
0x50: {  	_ =	shalt  }
0x51: {  	_ =	shalt  }
0x52: {  	_ =	shalt  }
0x53: {  	_ =	shalt  }
0x54: {  	_ =	shalt  }
0x55: {  	_ =	shalt  }
0x56: {  	_ =	shalt  }
0x57: {  	_ =	shalt  }
0x58: {  	_ =	shalt  }
0x59: {  	_ =	shalt  }
0x5a: {  	_ =	shalt  }
0x5b: {  	_ =	shalt  }
0x5c: {  	_ =	shalt  }
0x5d: {  	_ =	shalt  }
0x5e: {  	_ =	shalt  }
0x5f: {  	_ =	shalt  }
0x60: {  	_ =	shalt  }
0x61: {  	_ =	shalt  }
0x62: {  	_ =	shalt  }
0x63: {  	_ =	shalt  }
0x64: {  	_ =	shalt  }
0x65: {  	_ =	shalt  }
0x66: {  	_ =	shalt  }
0x67: {  	_ =	shalt  }
0x68: {  	_ =	shalt  }
0x69: {  	_ =	shalt  }
0x6a: {  	_ =	shalt  }
0x6b: {  	_ =	shalt  }
0x6c: {  	_ =	shalt  }
0x6d: {  	_ =	shalt  }
0x6e: {  	_ =	shalt  }
0x6f: {  	_ =	shalt  }
0x70: {  	_ =	shalt  }
0x71: {  	_ =	shalt  }
0x72: {  	_ =	shalt  }
0x73: {  	_ =	shalt  }
0x74: {  	_ =	shalt  }
0x75: {  	_ =	shalt  }
0x76: {  	_ =	shalt  }
0x77: {  	_ =	shalt  }
0x78: {  	_ =	shalt  }
0x79: {  	_ =	shalt  }
0x7a: {  	_ =	shalt  }
0x7b: {  	_ =	shalt  }
0x7c: {  	_ =	shalt  }
0x7d: {  	_ =	shalt  }
0x7e: {  	_ =	shalt  }
0x7f: {  	_ =	shalt  }
0x80: {  	_ =	shalt  }
0x81: {  	_ =	shalt  }
0x82: {  	_ =	shalt  }
0x83: {  	_ =	shalt  }
0x84: {  	_ =	shalt  }
0x85: {  	_ =	shalt  }
0x86: {  	_ =	shalt  }
0x87: {  	_ =	shalt  }
.Lfunc_end0:
.L_simem_size_0:
called_computation_lowered:
.L_overlay_start_0:
0x88: {  	s2 =	sld [smem:$0x3FD9]  }
0x89: {  	s3 =	sld [smem:$0x3FFE];
	_ =	sdelay $0x1  }
0x8a: {  	s1 =	srdreg.scid  }
0x8b: {  	s0 =	sand.u32 $0x1, s1  }
0x8c: {  	s15 =	sshll.u32 s0, $0xA;
	s2 =	sadd.s32 s3, s2  }
0x8d: {  	s2 =	sadd.s32 s2, s15  }
0x8e: {  	[smem:$0x3FC4] =	sst s2  }
0x8f: {  	_ = 	snop  }
0x90: {  	s2 =	sld [smem:$0x3FC9]  }
0x91: {  	s16 =	sld [smem:$0x3FD0]  }
0x92: {  	s4 =	sld [smem:$0x3FC8]  }
0x93: {  	s5 =	sld [smem:$0x3FC7]  }
0x94: {  	s7 =	simm.s32 $0xA;
	s8 =	simm.s32 $0x10;
	s6 =	sld [smem:$0x3FC6]  }
0x95: {  	[smem:s8], [sflag:s7] =	dma.local [hbm:s16], $0x1  }
0x96: {  	_ =	swait.eq [sflag:s7], $0x1  }
0x97: {  	[sflag:s7] =	ssyncset.done $0x0  }
0x98: {  	s17 =	sld [smem:$0x10];
	[sflag:s7] =	ssyncadd.s32 $0xFFFFFFFF  }
0x99: {  	s18 =	sld [smem:$0x11];
	(tm) =	ssettm $0x1  }
0x9a: {  	s19 =	sld [smem:$0x3FFB];
	_ =	sdelay $0x3  }
0x9b: {  	_ =	strace s19  }
0x9c: {  	s8 =	sld [smem:$0x3FFC];
	_ =	sdelay $0x3  }
0x9d: {  	_ =	strace s8  }
0x9e: {  	s8 =	sld [smem:$0x3FFD];
	_ =	sdelay $0x3  }
0x9f: {  	_ =	strace s8  }
0xa0: {  	_ =	strace $0x8FFFFFFF  }
0xa1: {  	s20 =	sld [smem:$0x3FDB];
	_ =	sdelay $0x1  }
0xa2: {  	s9 =	simm.s32 $_scs_section_size  }
0xa3: {  	s10 =	simm.s32 $_size__tile_overlayer_lowered;
	s11 =	simm.s32 $_tile_overlayer_lowered  }
0xa4: {  	s23 =	simm.s32 $0x1BFF;
	s22 =	sshll.u32 s11, $0x1;
	s8 =	sadd.s32 s9, s20  }
0xa5: {  	s12 =	simm.s32 $0x0;
	s21 =	sshll.u32 s10, $0x1;
	s10 =	sadd.s32 s22, s8  }
0xa6: {  	[timem:s12], [sflag:s23] =	dma.local [hbm:s10], s21  }
0xa7: {  	_ =	swait.ge [sflag:s23], s21  }
0xa8: {  	s9 =	ssub.s32 $0x0, s21;
	[sflag:s23] =	ssyncset.done $0x0  }
0xa9: {  	[sflag:s23] =	ssyncadd.s32 s9;
	_ =	sdelay $0x1  }
0xaa: {  	s24 =	simm.s32 $0x1B8B  }
0xab: {  	_ =	swait.ge [sflag:s24], $0x1  }
0xac: {  	[sflag:s24] =	ssyncset.done $0x0  }
0xad: {  	s25 =	simm.s32 $0x1B8E;
	[sflag:s24] =	ssyncadd.s32 $0xFFFFFFFF  }
0xae: {  	s26 =	simm.s32 $execute0_lowered;
	[smem:$0x3FD2] =	sst s25  }
0xaf: {  	s9 =	sshll.u32 s26, $0x1;
	_ =	strace $0x80000046;
	[dreg:$0x1] =	wrdreg $0xFFFFFFFF  }
0xb0: {  	s28 =	simm.s32 $_size_execute0_lowered;
	s8 =	sadd.s32 s8, s9;
	[dreg:$0x0] =	wrdreg $0x0  }
0xb1: {  	s9 =	sshll.u32 s28, $0x1;
	[dreg:$0x2] =	wrdreg s8  }
0xb2: {  	[dreg:$0x3] =	wrdreg s9  }
0xb3: {  	[dreg:$0x4] =	wrdreg $0xC0  }
0xb4: {  	_ =	task [dreg:s12], $0x5FFFF  }
0xb5: {  	[dreg:$0x1] =	wrdreg $0xFFFFFFFF  }
0xb6: {  	[dreg:$0x0] =	wrdreg $0x60  }
0xb7: {  	[dreg:$0x2] =	wrdreg s2  }
0xb8: {  	[dreg:$0x3] =	wrdreg s4  }
0xb9: {  	[dreg:$0x4] =	wrdreg s5  }
0xba: {  	[dreg:$0x5] =	wrdreg s6  }
0xbb: {  	[dreg:$0x6] =	wrdreg s17  }
0xbc: {  	[dreg:$0x7] =	wrdreg s18  }
0xbd: {  	[dreg:$0x8] =	wrdreg $0xDA000  }
0xbe: {  	[dreg:$0x9] =	wrdreg $0x11A000  }
0xbf: {  	[dreg:$0xa] =	wrdreg $0x9  }
0xc0: {  	_ =	task.clear_ibuf [dreg:s12], $0xBFFFF;
	_ =	strace $0x90000046  }
0xc1: {  	s29 =	simm.s32 $0x9;
	_ =	strace $0x80000048  }
0xc2: {  	_ =	swait.ge [sflag:s29], $0x1  }
0xc3: {  	[sflag:s29] =	ssyncadd.s32 $0xFFFFFFFF  }
0xc4: {  	_ =	strace $0x90000048  }
0xc5: {  	_ =	sfence  }
0xc6: {  	s30 =	sld [smem:$0x0];
	_ =	sdelay $0x2  }
0xc7: {  	s31 =	sshll.u32 s1, $0xD;
	s1 =	sshrl.u32 s1, $0x2  }
0xc8: {  	s3 =	sand.u32 $0x4000, s31;
	s1 =	sadd.s32 s1, s30  }
0xc9: {  	s0 =	sor.u32 s3, s0;
	s1 =	sshll.u32 s1, $0x11  }
0xca: {  	s0 =	sor.u32 s1, s0  }
0xcb: {  	s0 =	sadd.s32 $0x8F2B, s0  }
0xcc: {  	[sflag:s0] =	ssyncadd.remote.s32 $0x1  }
0xcd: {  	_ =	sfence.sel $0xFFFF  }
0xce: {  	[dreg:$0x0] =	wrdreg $0xFFFFFFFF;
	(pc) =	sbr.abs _section_cstart, $3  }
0xcf: {  	[dreg:$0x1] =	wrdreg $0xFFFFFFFF  }
0xd0: {  	_ =	task.clear_ibuf [dreg:s12], $0x2FFFF;
	_ =	strace $0x9FFFFFFF  }
0xd1: {  	(tm) =	ssettm $0x7FFFFFFF  }
tec
execute0_lowered:
.L_overlay_start_1:
0x0: {  	(tag) =	ssettag $0x1  }
0x1: {  	s0 =	rddreg [dreg:$0x0]  }
0x2: {  	s1 =	rddreg [dreg:$0x1]  }
0x3: {  	s4 =	rddreg [dreg:$0x2]  }
0x4: {  	s5 =	rddreg [dreg:$0x3]  }
0x5: {  	s6 =	rddreg [dreg:$0x4]  }
0x6: {  	s8 =	rddreg [dreg:$0x5]  }
0x7: {  	s2 =	rddreg [dreg:$0x6]  }
0x8: {  	s3 =	rddreg [dreg:$0x7]  }
0x9: {  	s7 =	srdreg.scid;
	s16 =	stileid.u32;
	s12 =	simm.s32 $0x0  }
0xa: {  	s28 =	simm.s32 $0x8;
	s29 =	simm.s32 $0x7;
	s31 =	simm.s32 $0x0  }
0xb: {  	s10 =	sand.u32 $0x1, s7;
	s14 =	sshll.u32 s16, $0x1;
	[smem:$0x7FF] =	sst s12  }
0xc: {  	s18 =	sshll.u32 s16, $0xE;
	s7 =	sshll.u32 s16, $0x6;
	s22 =	smul.u32 $0x1400, s16  }
0xd: {  	s23 =	sshll.u32 s16, $0x9;
	s9 =	ssub.s32 $0x2, s10;
	s11 =	sor.u32 s10, s14  }
0xe: {  	_ =	strace $0x80000047;
	s14 =	sshll.u32 s16, $0xB;
	s20 =	sor.u32 $0x1C03, s7  }
0xf: {  	s24 =	sshll.u32 s10, $0xF;
	s25 =	sand.u32 $0x1800, s23;
	s23 =	simm.s32 $0x4  }
0x10: {  	s15 =	sshrl.u32 s9, $0x1;
	s17 =	smul.u32 $0x500, s11;
	s19 =	sadd.s32 s5, s14  }
0x11: {  	[dreg:$0xc] =	wrdreg s20;
	s11 =	sshll.u32 s11, $0x4;
	s6 =	sadd.s32 s6, s14  }
0x12: {  	s8 =	sadd.s32 s8, s25;
	s0 =	sadd.s32 s0, s22;
	s20 =	simm.s32 $0xD200  }
0x13: {  	s22 =	simm.s32 $0x3;
	s25 =	simm.s32 $0x5100;
	s13 =	ssub.s32 s9, s15  }
0x14: {  	s15 =	smul.u32 $0x28000, s16;
	[dreg:$0xb] =	wrdreg s19;
	s26 =	sand.u32 $0x70, s11  }
0x15: {  	[dreg:$0xd] =	wrdreg s0;
	s30 =	sadd.s32 s24, s6;
	s16 =	sor.u32 $0x1C04, s7  }
0x16: {  	s19 =	simm.s32 $0x6;
	s24 =	simm.s32 $0x80;
	s1 =	sadd.s32 s1, s17  }
.Ltmp0:
0x17: {  	s4 =	sadd.s32 s4, s17;
	[dreg:$0xe] =	wrdreg s30;
	(pc) =	sbr.rel .LBB2_1-.Ltmp0, $4  }
0x18: {  	s12 =	sadd.s32 s26, s8;
	s13 =	smax.u32 s13, $0x1;
	[dreg:$0x9] =	wrdreg s1  }
0x19: {  	s26 =	simm.s32 $0x5200;
	[dreg:$0xa] =	wrdreg s4;
	s21 =	sshrl.u32 s15, $0x2  }
0x1a: {  	v0 =	vimm.f32 $0.0e+00;
	s1 =	sadd.s32 s18, s2;
	s18 =	simm.s32 $0x5;
	s4 =	sadd.s32 s21, s3  }
0x1b: {  	v1 =	vimm.f32 $1.000000000e+00;
	v2 =	vimm.s32 $0x0;
	v3 =	vimm.s32 $0x7FF;
	s15 =	sshrl.u32 s1, $0x3;
	s21 =	simm.s32 $0x1;
	s17 =	sshrl.u32 s4, $0x3  }
.LBB2_7:
0x1c: {  	_ = 	snop  }
.LBB2_10:
0x1d: {  	p0 =	por p0, !p1  }
0x1e: {  	s4 =	simm.s32 @!p3 $0x80;
	[sflag:s8] =	ssyncset.done @!p0 $0x0  }
0x1f: {  	s5 =	simm.s32 @!p3 $0x9200;
	[sflag:s8] =	ssyncadd.s32 @!p0 $0xFFFFC000;
	p0 =	por p3, p3  }
0x20: {  	[tilespmem:s5], [sflag:$0x2] =	stream.indirect.gather @!p0 [spmem:s3], $0x80, s30, s4, $0xb8;
	[tilespmem:$0x1BA00] =	vst v63  }
0x21: {  	v4 =	vld @!p0 [tilespmem:s1+$0xFFFFFFC0];
	_ =	sdelay $0x4  }
0x22: {  	[tilespmem:$0x5180] =	vst @!p0 v4  }
0x23: {  	v4 =	vld @!p0 [tilespmem:s1+$0xFFFFFFD0];
	_ =	sdelay $0x4  }
0x24: {  	[tilespmem:$0x5190] =	vst @!p0 v4  }
0x25: {  	v4 =	vld @!p0 [tilespmem:s1+$0xFFFFFFE0];
	_ =	sdelay $0x4  }
0x26: {  	[tilespmem:$0x51A0] =	vst @!p0 v4  }
0x27: {  	v4 =	vld @!p0 [tilespmem:s1+$0xFFFFFFF0];
	_ =	sdelay $0x4  }
0x28: {  	[tilespmem:$0x51B0] =	vst @!p0 v4  }
0x29: {  	v4 =	vld @!p0 [tilespmem:s1+$0x0];
	_ =	sdelay $0x4  }
0x2a: {  	[tilespmem:$0x51C0] =	vst @!p0 v4  }
0x2b: {  	v4 =	vld @!p0 [tilespmem:s1+$0x10];
	_ =	sdelay $0x4  }
0x2c: {  	[tilespmem:$0x51D0] =	vst @!p0 v4  }
0x2d: {  	v4 =	vld @!p0 [tilespmem:s1+$0x20];
	_ =	sdelay $0x4  }
0x2e: {  	[tilespmem:$0x51E0] =	vst @!p0 v4  }
0x2f: {  	v4 =	vld @!p0 [tilespmem:s1+$0x30];
	_ =	sdelay $0x4  }
0x30: {  	[tilespmem:$0x51F0] =	vst @!p0 v4  }
0x31: {  	_ =	swait.ge [sflag:s21], $0x4000  }
0x32: {  	[sflag:s21] =	ssyncset.done $0x0  }
0x33: {  	[sflag:s21] =	ssyncadd.s32 $0xFFFFC000  }
0x34: {  	[spmem:s2] =	stream.indirect.scatter.add.f32 [tilespmem:s26], [sflag:$0x8], $0x80, s25, s24, $0xb8;
	[tilespmem:$0x1BA00] =	vst v63  }
0x35: {  	p1 =	sge.s32 s14, s0;
	_ =	swait.ge [sflag:s28], $0x4000  }
0x36: {  	s0 =	sadd.s32 @!p1 $0x80, s30;
	[sflag:s28] =	ssyncset.done $0x0  }
0x37: {  	s6 =	simm.s32 @!p1 $0x80;
	s8 =	simm.s32 @!p1 $0x5200;
	[sflag:s28] =	ssyncadd.s32 $0xFFFFC000  }
0x38: {  	[tilespmem:s8], [sflag:$0x1] =	stream.indirect.gather @!p1 [spmem:s3], $0x80, s0, s6, $0xb8;
	[tilespmem:$0x1BA00] =	vst v63  }
0x39: {  	v4 =	vld @!p1 [tilespmem:s1+$0x40];
	_ =	sdelay $0x4  }
0x3a: {  	[tilespmem:$0x5100] =	vst @!p1 v4  }
0x3b: {  	v4 =	vld @!p1 [tilespmem:s1+$0x50];
	_ =	sdelay $0x4  }
0x3c: {  	[tilespmem:$0x5110] =	vst @!p1 v4  }
0x3d: {  	v4 =	vld @!p1 [tilespmem:s1+$0x60];
	_ =	sdelay $0x4  }
0x3e: {  	[tilespmem:$0x5120] =	vst @!p1 v4  }
0x3f: {  	v4 =	vld @!p1 [tilespmem:s1+$0x70];
	_ =	sdelay $0x4  }
0x40: {  	[tilespmem:$0x5130] =	vst @!p1 v4  }
0x41: {  	v4 =	vld @!p1 [tilespmem:s1+$0x80];
	_ =	sdelay $0x4  }
0x42: {  	[tilespmem:$0x5140] =	vst @!p1 v4  }
0x43: {  	v4 =	vld @!p1 [tilespmem:s1+$0x90];
	_ =	sdelay $0x4  }
0x44: {  	[tilespmem:$0x5150] =	vst @!p1 v4  }
0x45: {  	v4 =	vld @!p1 [tilespmem:s1+$0xA0];
	_ =	sdelay $0x4  }
0x46: {  	[tilespmem:$0x5160] =	vst @!p1 v4  }
0x47: {  	v4 =	vld @!p1 [tilespmem:s1+$0xB0];
	_ =	sdelay $0x4  }
0x48: {  	s0 =	simm.s32 @!p0 $0x2;
	[tilespmem:$0x5170] =	vst @!p1 v4  }
0x49: {  	_ =	swait.ge @!p0 [sflag:s0], $0x4000  }
0x4a: {  	[sflag:s0] =	ssyncset.done @!p0 $0x0  }
0x4b: {  	s6 =	simm.s32 @!p0 $0x7;
	s1 =	simm.s32 @!p0 $0x5180;
	[sflag:s0] =	ssyncadd.s32 @!p0 $0xFFFFC000  }
0x4c: {  	[spmem:s2] =	stream.indirect.scatter.add.f32 @!p0 [tilespmem:s5], [sflag:$0x7], $0x80, s1, s4, $0xb8;
	[tilespmem:$0x1BA00] =	vst v63  }
0x4d: {  	_ =	swait.ge @!p0 [sflag:s6], $0x4000  }
0x4e: {  	[sflag:s6] =	ssyncset.done @!p0 $0x0  }
0x4f: {  	[sflag:s6] =	ssyncadd.s32 @!p0 $0xFFFFC000  }
.LBB2_11:
0x50: {  	[bflag:$0x0] =	sbarrier.arrive $0xFFFF  }
0x51: {  	s0 =	sor.u32 $0x1C07, s7;
	s1 =	rddreg [dreg:$0xe]  }
0x52: {  	[hbm:s1], [sflag:s0] =	dma.local [spmem:s15], $0x800  }
0x53: {  	s31 =	sadd.s32 $0x1, s31;
	_ =	swait.ge [sflag:s29], $0x800  }
0x54: {  	p0 =	sne.s32 s31, s13;
	[sflag:s29] =	ssyncset.done $0x0  }
.Ltmp1:
0x55: {  	s30 =	simm.s32 $0x400;
	[sflag:s29] =	ssyncadd.s32 $0xFFFFF800;
	(pc) =	sbr.rel @!p0 .LBB2_12-.Ltmp1, $4  }
0x56: {  	[hbm4b:s12+s24] =	stream.strided.scatter [tilespmem:s20], [sflag:$0x7], $0x800, s30, s24, $0x38;
	[tilespmem:$0x1BA00] =	vst v63  }
0x57: {  	_ =	swait.ge [sflag:s29], $0x800  }
0x58: {  	[sflag:s29] =	ssyncset.done $0x0  }
0x59: {  	[sflag:s29] =	ssyncadd.s32 $0xFFFFF800  }
.LBB2_1:
0x5a: {  	s1 =	rddreg [dreg:$0x9]  }
0x5b: {  	s11 =	rddreg [dreg:$0xa]  }
0x5c: {  	s0 =	simm.s32 $0x0;
	s14 =	rddreg [dreg:$0xb]  }
0x5d: {  	[tilespmem:s0], [sflag:$0x5] =	stream.linear.gather [hbm4b:s1+s0], $0x2800, $0x38;
	[tilespmem:$0x1BA00] =	vst v63  }
0x5e: {  	s4 =	simm.s32 $0x2880;
	s30 =	rddreg [dreg:$0xc]  }
0x5f: {  	[tilespmem:s4], [sflag:$0x6] =	stream.linear.gather [hbm4b:s11+s0], $0x2800, $0x38;
	[tilespmem:$0x1BA00] =	vst v63  }
0x60: {  	[spmem:s15], [sflag:s30] =	dma.local [hbm:s14], $0x800  }
0x61: {  	s0 =	rddreg [dreg:$0xd]  }
0x62: {  	[spmem:s17], [sflag:s16] =	dma.local [hbm:s0], $0x1400  }
0x63: {  	s1 =	simm.s32 $0x0;
	s0 =	simm.s32 $0x40  }
.LBB2_2:
0x64: {  	p0 =	sne.s32 s0, $0x1FC0;
	[tilespmem:s1+$0xD200] =	vst v0;
	s1 =	smov.u32 s0;
	s0 =	sadd.s32 $0x40, s0  }
.Ltmp2:
0x65: {  	(pc) =	sbr.rel @p0 .LBB2_2-.Ltmp2, $2  }
0x66: {  	_ =	sdelay $0x2  }
0x67: {  	s1 =	sshra.s32 s1, $0x2  }
0x68: {  	[tilespmem:s1+$0xD200] =	vst v0  }
0x69: {  	_ =	swait.ge [sflag:s18], $0x2800  }
0x6a: {  	[sflag:s18] =	ssyncset.done $0x0  }
0x6b: {  	[sflag:s18] =	ssyncadd.s32 $0xFFFFD800  }
0x6c: {  	_ =	swait.ge [sflag:s19], $0x2800  }
0x6d: {  	[sflag:s19] =	ssyncset.done $0x0  }
0x6e: {  	s0 =	simm.s32 $0x0;
	[sflag:s19] =	ssyncadd.s32 $0xFFFFD800  }
0x6f: {  	v4 =	vld [tilespmem:s0+$0x2880];
	_ =	sdelay $0x4  }
0x70: {  	vm0 =	vlt.s32 v4, $0x7D0  }
0x71: {  	v5 =	vsel vm0, $0x1, v2  }
0x72: {  	(xrf0) =	vadd.scan.msk.s32 $0xffff, v5;
	_ =	sdelay $0x1  }
0x73: {  	v6 =	vld [tilespmem:s0+$0x0];
	_ =	sdelay $0x3  }
0x74: {  	s0 =	simm.s32 $0x0;
	[tilespmem:v4+s20+$0x0] =	vst.idx.add.f32.msk vm0, v1;
	v5, _, _ =	vpop (xrf0)  }
0x75: {  	[tilespmem:s0+$0x0] =	vst.msk vm0, v6;
	(v2sf) =	vpush v5, $0xF  }
0x76: {  	s4 =	simm.s32 $0x10;
	[tilespmem:s0+$0x2880] =	vst.msk vm0, v4  }
0x77: {  	s1 =	simm.s32 $0x80;
	v4 =	vld [tilespmem:s4+$0x0]  }
.LBB2_4:
0x78: {  	p0 =	sne.s32 s1, $0x9FC0;
	v5 =	vld [tilespmem:s4+$0x2880];
	_ =	sdelay $0x4  }
0x79: {  	vm0 =	vlt.s32 v5, $0x7D0  }
0x7a: {  	v6 =	vsel vm0, $0x1, v2  }
0x7b: {  	(xrf0) =	vadd.scan.msk.s32 $0xffff, v6;
	_ =	sdelay $0x3  }
0x7c: {  	[tilespmem:v5+s20+$0x0] =	vst.idx.add.f32.msk vm0, v1  }
.Ltmp3:
0x7d: {  	s4 =	spop (v2sf);
	(pc) =	sbr.rel @p0 .LBB2_4-.Ltmp3, $4  }
0x7e: {  	v6, _, _ =	vpop (xrf0);
	s0 =	sadd.s32 s0, s4  }
0x7f: {  	[tilespmem:s0+$0x0] =	vst.msk vm0, v4;
	(v2sf) =	vpush v6, $0xF  }
0x80: {  	s4 =	sshra.s32 s1, $0x2;
	[tilespmem:s0+$0x2880] =	vst.msk vm0, v5  }
0x81: {  	s1 =	sadd.s32 $0x40, s1;
	v4 =	vld [tilespmem:s4+$0x0]  }
0x82: {  	v5 =	vld [tilespmem:s4+$0x2880];
	_ =	sdelay $0x4  }
0x83: {  	vm0 =	vlt.s32 v5, $0x7D0  }
0x84: {  	v6 =	vsel vm0, $0x1, v2  }
0x85: {  	(xrf0) =	vadd.scan.msk.s32 $0xffff, v6;
	_ =	sdelay $0x5  }
0x86: {  	v6, _, _ =	vpop (xrf0)  }
0x87: {  	(v2sf) =	vpush v6, $0xF;
	_ =	sdelay $0xc  }
0x88: {  	s1 =	spop (v2sf)  }
0x89: {  	[tilespmem:v5+s20+$0x0] =	vst.idx.add.f32.msk vm0, v1;
	s0 =	sadd.s32 s0, s1  }
0x8a: {  	[tilespmem:s0+$0x0] =	vst.msk vm0, v4;
	s8 =	spop (v2sf)  }
0x8b: {  	[tilespmem:s0+$0x2880] =	vst.msk vm0, v5;
	s0 =	sadd.s32 s0, s8  }
0x8c: {  	[tilespmem:s0+$0x0] =	vst v2  }
0x8d: {  	[tilespmem:s0+$0x2880] =	vst v3  }
0x8e: {  	[tilespmem:s0+$0x10] =	vst v2  }
0x8f: {  	[tilespmem:s0+$0x2890] =	vst v3  }
0x90: {  	[tilespmem:s0+$0x20] =	vst v2  }
0x91: {  	[tilespmem:s0+$0x28A0] =	vst v3  }
0x92: {  	[tilespmem:s0+$0x30] =	vst v2  }
0x93: {  	[tilespmem:s0+$0x28B0] =	vst v3  }
0x94: {  	[tilespmem:s0+$0x40] =	vst v2  }
0x95: {  	[tilespmem:s0+$0x28C0] =	vst v3  }
0x96: {  	[tilespmem:s0+$0x50] =	vst v2  }
0x97: {  	[tilespmem:s0+$0x28D0] =	vst v3  }
0x98: {  	[tilespmem:s0+$0x60] =	vst v2  }
0x99: {  	[tilespmem:s0+$0x28E0] =	vst v3  }
0x9a: {  	[tilespmem:s0+$0x70] =	vst v2;
	s1 =	sadd.s32 $0x7F, s0  }
0x9b: {  	[tilespmem:s0+$0x28F0] =	vst v3;
	s9 =	sshra.s32 s1, $0x1F  }
0x9c: {  	s10 =	sand.u32 $0x7F, s1;
	_ =	swait.ge [sflag:s22], $0x800;
	p0 =	slt.s32 s1, $0x1  }
0x9d: {  	s0 =	sshrl.u32 s9, $0x19;
	p1 =	sne.s32 s10, $0x0;
	[sflag:s22] =	ssyncset.done $0x0  }
0x9e: {  	s0 =	sadd.s32 s0, s1;
	p0 =	por !p0, !p1;
	[sflag:s22] =	ssyncadd.s32 $0xFFFFF800  }
0x9f: {  	s1 =	simm.s32 $0x1;
	p0 =	por !p0, !p0;
	_ =	swait.ge [sflag:s23], $0x1400  }
0xa0: {  	s0 =	sshra.s32 s0, $0x7;
	s1 =	simm.s32 @!p0 $0x0;
	[sflag:s23] =	ssyncset.done $0x0  }
0xa1: {  	s0 =	ssub.s32 s0, s1;
	[sflag:s23] =	ssyncadd.s32 $0xFFFFEC00  }
0xa2: {  	[bflag:$0x0] =	sbarrier.arrive $0xFFFF;
	p0 =	slt.s32 s0, $0x1  }
0xa3: {  	s1 =	simm.s32 @!p0 $0x80;
	s4 =	simm.s32 @!p0 $0x0;
	s5 =	simm.s32 @!p0 $0x5200  }
0xa4: {  	[tilespmem:s5], [sflag:$0x1] =	stream.indirect.gather @!p0 [spmem:s3], $0x80, s4, s1, $0xb8;
	[tilespmem:$0x1BA00] =	vst v63  }
0xa5: {  	s11 =	sadd.s32 $0x1, s0;
	v4 =	vld @!p0 [tilespmem:$0x2880]  }
0xa6: {  	s14 =	sand.u32 $0x1, s11;
	v5 =	vld @!p0 [tilespmem:$0x2890]  }
0xa7: {  	p6 =	slt.s32 s0, $0x0;
	p2 =	seq.s32 s14, $0x1;
	v6 =	vld @!p0 [tilespmem:$0x28A0]  }
0xa8: {  	s30 =	sshrl.u32 s11, $0x1F;
	v7 =	vld @!p0 [tilespmem:$0x28B0];
	p1 =	por !p6, !p2  }
0xa9: {  	s1 =	sadd.s32 s30, s11;
	s4 =	simm.s32 $0x1;
	v8 =	vld @!p0 [tilespmem:$0x28C0];
	p1 =	por !p1, !p1  }
0xaa: {  	s1 =	sshra.s32 s1, $0x1;
	s4 =	simm.s32 @!p1 $0x0;
	[tilespmem:$0x5100] =	vst @!p0 v4;
	v4 =	vld @!p0 [tilespmem:$0x28D0]  }
0xab: {  	s1 =	ssub.s32 s1, s4;
	[tilespmem:$0x5110] =	vst @!p0 v5;
	v5 =	vld @!p0 [tilespmem:$0x28E0]  }
0xac: {  	p1 =	slt.s32 s1, $0x1;
	[tilespmem:$0x5120] =	vst @!p0 v6;
	v6 =	vld @!p0 [tilespmem:$0x28F0]  }
.Ltmp4:
0xad: {  	[tilespmem:$0x5130] =	vst @!p0 v7;
	(pc) =	sbr.rel @p1 .LBB2_11-.Ltmp4, $4  }
0xae: {  	[tilespmem:$0x5140] =	vst @!p0 v8  }
0xaf: {  	[tilespmem:$0x5150] =	vst @!p0 v4  }
0xb0: {  	[tilespmem:$0x5160] =	vst @!p0 v5  }
0xb1: {  	[tilespmem:$0x5170] =	vst @!p0 v6  }
0xb2: {  	s4 =	sadd.s32 $0xFFFFFFFF, s1  }
0xb3: {  	p0 =	sne.s32 s4, $0x0  }
.Ltmp5:
0xb4: {  	_ = 	snop;
	(pc) =	sbr.rel @!p0 .LBB2_7-.Ltmp5, $3  }
0xb5: {  	_ =	sdelay $0x1  }
0xb6: {  	s30 =	simm.s32 $0x80;
	s14 =	simm.s32 $0x2  }
0xb7: {  	s1 =	simm.s32 $0x2940;
	p3 =	sle.s32 s0, $0x1;
	p1 =	por $0x0, $0x0  }
0xb8: {  	s5 =	simm.s32 @!p3 $0x80;
	s6 =	simm.s32 @!p3 $0x9200;
	p0 =	por p3, p3  }
0xb9: {  	[tilespmem:s6], [sflag:$0x2] =	stream.indirect.gather @!p0 [spmem:s3], $0x80, s30, s5, $0xb8;
	[tilespmem:$0x1BA00] =	vst v63  }
0xba: {  	v4 =	vld @!p0 [tilespmem:s1+$0xFFFFFFC0];
	_ =	sdelay $0x4  }
0xbb: {  	[tilespmem:$0x5180] =	vst @!p0 v4  }
0xbc: {  	v4 =	vld @!p0 [tilespmem:s1+$0xFFFFFFD0];
	_ =	sdelay $0x4  }
0xbd: {  	[tilespmem:$0x5190] =	vst @!p0 v4  }
0xbe: {  	v4 =	vld @!p0 [tilespmem:s1+$0xFFFFFFE0];
	_ =	sdelay $0x4  }
0xbf: {  	[tilespmem:$0x51A0] =	vst @!p0 v4  }
0xc0: {  	v4 =	vld @!p0 [tilespmem:s1+$0xFFFFFFF0];
	_ =	sdelay $0x4  }
0xc1: {  	[tilespmem:$0x51B0] =	vst @!p0 v4  }
0xc2: {  	v4 =	vld @!p0 [tilespmem:s1+$0x0];
	_ =	sdelay $0x4  }
0xc3: {  	[tilespmem:$0x51C0] =	vst @!p0 v4  }
0xc4: {  	v4 =	vld @!p0 [tilespmem:s1+$0x10];
	_ =	sdelay $0x4  }
0xc5: {  	[tilespmem:$0x51D0] =	vst @!p0 v4  }
0xc6: {  	v4 =	vld @!p0 [tilespmem:s1+$0x20];
	_ =	sdelay $0x4  }
0xc7: {  	[tilespmem:$0x51E0] =	vst @!p0 v4  }
0xc8: {  	v4 =	vld @!p0 [tilespmem:s1+$0x30];
	_ =	sdelay $0x4  }
0xc9: {  	[tilespmem:$0x51F0] =	vst @!p0 v4  }
0xca: {  	_ =	swait.ge [sflag:s21], $0x4000  }
0xcb: {  	[sflag:s21] =	ssyncset.done $0x0  }
0xcc: {  	[sflag:s21] =	ssyncadd.s32 $0xFFFFC000  }
0xcd: {  	[spmem:s2] =	stream.indirect.scatter.add.f32 [tilespmem:s26], [sflag:$0x8], $0x80, s25, s24, $0xb8;
	[tilespmem:$0x1BA00] =	vst v63  }
0xce: {  	p1 =	sle.s32 s0, $0x2;
	_ =	swait.ge [sflag:s28], $0x4000  }
0xcf: {  	s8 =	simm.s32 @!p1 $0x100;
	[sflag:s28] =	ssyncset.done $0x0  }
0xd0: {  	s14 =	simm.s32 @!p1 $0x80;
	s30 =	simm.s32 @!p1 $0x5200;
	[sflag:s28] =	ssyncadd.s32 $0xFFFFC000  }
0xd1: {  	[tilespmem:s30], [sflag:$0x1] =	stream.indirect.gather @!p1 [spmem:s3], $0x80, s8, s14, $0xb8;
	[tilespmem:$0x1BA00] =	vst v63  }
0xd2: {  	v4 =	vld @!p1 [tilespmem:s1+$0x40];
	_ =	sdelay $0x4  }
0xd3: {  	[tilespmem:$0x5100] =	vst @!p1 v4  }
0xd4: {  	v4 =	vld @!p1 [tilespmem:s1+$0x50];
	_ =	sdelay $0x4  }
0xd5: {  	[tilespmem:$0x5110] =	vst @!p1 v4  }
0xd6: {  	v4 =	vld @!p1 [tilespmem:s1+$0x60];
	_ =	sdelay $0x4  }
0xd7: {  	[tilespmem:$0x5120] =	vst @!p1 v4  }
0xd8: {  	v4 =	vld @!p1 [tilespmem:s1+$0x70];
	_ =	sdelay $0x4  }
0xd9: {  	[tilespmem:$0x5130] =	vst @!p1 v4  }
0xda: {  	v4 =	vld @!p1 [tilespmem:s1+$0x80];
	_ =	sdelay $0x4  }
0xdb: {  	[tilespmem:$0x5140] =	vst @!p1 v4  }
0xdc: {  	v4 =	vld @!p1 [tilespmem:s1+$0x90];
	_ =	sdelay $0x4  }
0xdd: {  	[tilespmem:$0x5150] =	vst @!p1 v4  }
0xde: {  	v4 =	vld @!p1 [tilespmem:s1+$0xA0];
	_ =	sdelay $0x4  }
0xdf: {  	[tilespmem:$0x5160] =	vst @!p1 v4  }
0xe0: {  	v4 =	vld @!p1 [tilespmem:s1+$0xB0];
	_ =	sdelay $0x4  }
0xe1: {  	s4 =	sadd.s32 $0xFFFFFFFF, s4;
	s1 =	simm.s32 @!p0 $0x2;
	[tilespmem:$0x5170] =	vst @!p1 v4  }
0xe2: {  	p2 =	sne.s32 s4, $0x0;
	_ =	swait.ge @!p0 [sflag:s1], $0x4000  }
.Ltmp6:
0xe3: {  	[sflag:s1] =	ssyncset.done @!p0 $0x0;
	(pc) =	sbr.rel @!p2 .LBB2_10-.Ltmp6, $4  }
0xe4: {  	p3 =	sle.s32 s0, $0x3;
	s8 =	simm.s32 @!p0 $0x5180;
	[sflag:s1] =	ssyncadd.s32 @!p0 $0xFFFFC000  }
0xe5: {  	[spmem:s2] =	stream.indirect.scatter.add.f32 @!p0 [tilespmem:s6], [sflag:$0x7], $0x80, s8, s5, $0xb8;
	[tilespmem:$0x1BA00] =	vst v63  }
0xe6: {  	s14 =	simm.s32 $0x4;
	s30 =	simm.s32 $0x180;
	s8 =	simm.s32 @!p0 $0x7  }
0xe7: {  	p1 =	por $0x1, $0x1;
	s1 =	simm.s32 $0x2A40;
	_ =	swait.ge @!p0 [sflag:s8], $0x4000  }
.LBB2_9:
0xe8: {  	s5 =	simm.s32 @!p3 $0x80;
	s6 =	simm.s32 @!p3 $0x9200;
	[sflag:s8] =	ssyncset.done @!p0 $0x0  }
0xe9: {  	s4 =	sadd.s32 $0xFFFFFFFF, s4;
	[sflag:s8] =	ssyncadd.s32 @!p0 $0xFFFFC000;
	p0 =	por p3, p3  }
0xea: {  	[tilespmem:s6], [sflag:$0x2] =	stream.indirect.gather @!p0 [spmem:s3], $0x80, s30, s5, $0xb8;
	[tilespmem:$0x1BA00] =	vst v63  }
0xeb: {  	p2 =	sne.s32 s4, $0x0;
	v4 =	vld @!p0 [tilespmem:s1+$0xFFFFFFC0];
	_ =	sdelay $0x4  }
0xec: {  	[tilespmem:$0x5180] =	vst @!p0 v4  }
0xed: {  	v4 =	vld @!p0 [tilespmem:s1+$0xFFFFFFD0];
	_ =	sdelay $0x4  }
0xee: {  	[tilespmem:$0x5190] =	vst @!p0 v4  }
0xef: {  	v4 =	vld @!p0 [tilespmem:s1+$0xFFFFFFE0];
	_ =	sdelay $0x4  }
0xf0: {  	[tilespmem:$0x51A0] =	vst @!p0 v4  }
0xf1: {  	v4 =	vld @!p0 [tilespmem:s1+$0xFFFFFFF0];
	_ =	sdelay $0x4  }
0xf2: {  	[tilespmem:$0x51B0] =	vst @!p0 v4  }
0xf3: {  	v4 =	vld @!p0 [tilespmem:s1+$0x0];
	_ =	sdelay $0x4  }
0xf4: {  	[tilespmem:$0x51C0] =	vst @!p0 v4  }
0xf5: {  	v4 =	vld @!p0 [tilespmem:s1+$0x10];
	_ =	sdelay $0x4  }
0xf6: {  	[tilespmem:$0x51D0] =	vst @!p0 v4  }
0xf7: {  	v4 =	vld @!p0 [tilespmem:s1+$0x20];
	_ =	sdelay $0x4  }
0xf8: {  	[tilespmem:$0x51E0] =	vst @!p0 v4  }
0xf9: {  	v4 =	vld @!p0 [tilespmem:s1+$0x30];
	_ =	sdelay $0x4  }
0xfa: {  	[tilespmem:$0x51F0] =	vst @!p0 v4  }
0xfb: {  	_ =	swait.ge [sflag:s21], $0x4000  }
0xfc: {  	[sflag:s21] =	ssyncset.done $0x0  }
0xfd: {  	[sflag:s21] =	ssyncadd.s32 $0xFFFFC000  }
0xfe: {  	[spmem:s2] =	stream.indirect.scatter.add.f32 [tilespmem:s26], [sflag:$0x8], $0x80, s25, s24, $0xb8;
	[tilespmem:$0x1BA00] =	vst v63  }
0xff: {  	p3 =	sge.s32 s14, s0;
	_ =	swait.ge [sflag:s28], $0x4000  }
0x100: {  	s8 =	sadd.s32 @!p3 $0x80, s30;
	s9 =	simm.s32 @!p3 $0x80;
	[sflag:s28] =	ssyncset.done $0x0  }
0x101: {  	s10 =	simm.s32 @!p3 $0x5200;
	[sflag:s28] =	ssyncadd.s32 $0xFFFFC000  }
0x102: {  	[tilespmem:s10], [sflag:$0x1] =	stream.indirect.gather @!p3 [spmem:s3], $0x80, s8, s9, $0xb8;
	[tilespmem:$0x1BA00] =	vst v63  }
0x103: {  	v4 =	vld @!p3 [tilespmem:s1+$0x40];
	_ =	sdelay $0x4  }
0x104: {  	[tilespmem:$0x5100] =	vst @!p3 v4  }
0x105: {  	v4 =	vld @!p3 [tilespmem:s1+$0x50];
	_ =	sdelay $0x4  }
0x106: {  	[tilespmem:$0x5110] =	vst @!p3 v4  }
0x107: {  	v4 =	vld @!p3 [tilespmem:s1+$0x60];
	_ =	sdelay $0x4  }
0x108: {  	[tilespmem:$0x5120] =	vst @!p3 v4  }
0x109: {  	v4 =	vld @!p3 [tilespmem:s1+$0x70];
	_ =	sdelay $0x4  }
0x10a: {  	[tilespmem:$0x5130] =	vst @!p3 v4  }
0x10b: {  	v4 =	vld @!p3 [tilespmem:s1+$0x80];
	_ =	sdelay $0x4  }
0x10c: {  	[tilespmem:$0x5140] =	vst @!p3 v4  }
0x10d: {  	v4 =	vld @!p3 [tilespmem:s1+$0x90];
	_ =	sdelay $0x4  }
0x10e: {  	[tilespmem:$0x5150] =	vst @!p3 v4  }
0x10f: {  	v4 =	vld @!p3 [tilespmem:s1+$0xA0];
	_ =	sdelay $0x4  }
0x110: {  	[tilespmem:$0x5160] =	vst @!p3 v4  }
0x111: {  	v4 =	vld @!p3 [tilespmem:s1+$0xB0];
	_ =	sdelay $0x3  }
0x112: {  	s9 =	simm.s32 @!p0 $0x2  }
0x113: {  	[tilespmem:$0x5170] =	vst @!p3 v4  }
.Ltmp7:
0x114: {  	s14 =	sadd.s32 $0x2, s14;
	_ =	swait.ge @!p0 [sflag:s9], $0x4000;
	(pc) =	sbr.rel @p2 .LBB2_9-.Ltmp7, $4  }
0x115: {  	s10 =	simm.s32 @!p0 $0x5180;
	s8 =	simm.s32 @!p0 $0x7;
	[sflag:s9] =	ssyncset.done @!p0 $0x0  }
0x116: {  	s11 =	sadd.s32 $0xFFFFFFFF, s14;
	s1 =	sadd.s32 $0x100, s1;
	[sflag:s9] =	ssyncadd.s32 @!p0 $0xFFFFC000  }
0x117: {  	[spmem:s2] =	stream.indirect.scatter.add.f32 @!p0 [tilespmem:s6], [sflag:$0x7], $0x80, s10, s5, $0xb8;
	[tilespmem:$0x1BA00] =	vst v63  }
0x118: {  	s30 =	sadd.s32 $0x100, s30;
	p3 =	sge.s32 s11, s0;
	_ =	swait.ge @!p0 [sflag:s8], $0x4000  }
.Ltmp8:
0x119: {  	_ = 	snop;
	(pc) =	sbr.rel .LBB2_10-.Ltmp8, $1  }
0x11a: {  	_ =	sdelay $0x3  }
.LBB2_12:
0x11b: {  	_ =	sfence.sel $0x180000  }
0x11c: {  	[bflag:$0x0] =	sbarrier.arrive $0xFFFF  }
0x11d: {  	_ =	strace $0x90000047  }
0x11e: {  	s0 =	stileid.u32;
	[bflag:$0x2] =	sbarrier.arrive $0xFFFF  }
0x11f: {  	p0 =	sne.s32 s0, $0x0;
	s0 =	rddreg [dreg:$0x8]  }
0x120: {  	s0 =	sadd.s32 @!p0 $0x100000, s0  }
0x121: {  	[sflag:s0] =	ssyncadd.tile.s32 @!p0 $0x1;
	_ =	shalt  }
.Lfunc_end2:
_tile_overlayer_lowered:
.L_overlay_start_2:
0x122: {  	(tag) =	ssettag $0x2  }
0x123: {  	s0 =	rddreg [dreg:$0x0];
	s2 =	stileid.u32  }
0x124: {  	s1 =	rddreg [dreg:$0x1];
	p0 =	sne.s32 s2, $0x0  }
0x125: {  	s3 =	rddreg [dreg:$0x2];
	[bflag:$0x3] =	sbarrier.arrive $0xFFFF;
	s2 =	simm.s32 @!p0 $0x1C07  }
0x126: {  	[timem:s3], [sflag:s2] =	dma.local @!p0 [hbm:s0], s1  }
0x127: {  	s0 =	simm.s32 @!p0 $0x7  }
0x128: {  	_ =	swait.ge @!p0 [sflag:s0], s1  }
0x129: {  	s1 =	ssub.s32 @!p0 $0x0, s1;
	[sflag:s0] =	ssyncset.done @!p0 $0x0  }
0x12a: {  	[sflag:s0] =	ssyncadd.s32 @!p0 s1  }
0x12b: {  	[bflag:$0x3] =	sbarrier.arrive $0xFFFF  }
0x12c: {  	_ =	shalt  }

</sc_bundles>
